<compile_context>
chip_gen: v7x
topology: tpu7x:2x2x1
jax: 0.10.2.dev20260603
libtpu: 0.0.44.dev20260713+nightly
codegen_flags: <defaults>
</compile_context>

<pallas_src>
import functools

import jax
import jax.numpy as jnp
from jax import lax
from jax.experimental import pallas as pl
from jax.experimental.pallas import tpu as pltpu
from jax.experimental.pallas import tpu_sc as plsc

_C = 1000
_N = 16384
_NC = 2
_NS = 16
_NW = _NC * _NS
_CPW = 32
_CHUNK = 1024
_NCHUNKS = _N // _CHUNK
_L = 16
_NBUF = 2


def _onehot_body(x_hbm, out_hbm, *refs):
    bufs = list(refs[:_NBUF])
    idx_v = refs[_NBUF]
    sem_i = refs[_NBUF + 1]
    sem_o = list(refs[_NBUF + 2:])

    cid = lax.axis_index("c")
    sid = lax.axis_index("s")
    wid = sid * _NC + cid
    lo = wid * _CPW

    zeros16 = jnp.zeros((_L,), jnp.int32)
    ones16 = jnp.ones((_L,), jnp.int32)
    lane = lax.iota(jnp.int32, _L)
    cpw_u = jnp.uint32(_CPW)
    row_mask = jnp.int32(_CPW - 1)

    idesc = pltpu.async_copy(x_hbm, idx_v, sem_i)

    def _zrow(r, carry):
        for b in range(_NBUF):
            for u in range(_CHUNK // _L):
                bufs[b][r, pl.ds(u * _L, _L)] = zeros16
        return carry

    lax.fori_loop(0, _CPW, _zrow, 0)
    idesc.wait()

    def scan_ones(b, colbase):
        def body(jj, carry):
            for u in range(4):
                rel = jj * (4 * _L) + u * _L
                xv = idx_v[pl.ds(colbase + rel, _L)]
                cls = xv - lo
                msk = plsc.bitcast(cls, jnp.uint32) < cpw_u
                plsc.store_scatter(bufs[b], [cls, lane + rel], ones16,
                                   mask=msk)
            return carry
        lax.fori_loop(0, _CHUNK // (4 * _L), body, 0)

    def scan_zeros(b, colbase):
        def body(jj, carry):
            for u in range(4):
                rel = jj * (4 * _L) + u * _L
                xv = idx_v[pl.ds(colbase + rel, _L)]
                cls = (xv - lo) & row_mask
                plsc.store_scatter(bufs[b], [cls, lane + rel], zeros16)
            return carry
        lax.fori_loop(0, _CHUNK // (4 * _L), body, 0)

    def pipeline(nrows):
        def src(b):
            return bufs[b] if nrows == _CPW else bufs[b].at[pl.ds(0, nrows)]

        def dst(colbase):
            return out_hbm.at[pl.ds(lo, nrows),
                              pl.ds(pl.multiple_of(colbase, _CHUNK), _CHUNK)]

        def chunk_pair(p, carry):
            for b in range(_NBUF):
                g = p * _NBUF + b
                colbase = g * _CHUNK

                @pl.when(p > 0)
                def _():
                    prev = (g - _NBUF) * _CHUNK
                    pltpu.make_async_copy(src(b), dst(prev), sem_o[b]).wait()
                    scan_zeros(b, prev)

                scan_ones(b, colbase)
                pltpu.async_copy(src(b), dst(colbase), sem_o[b])
            return carry

        lax.fori_loop(0, _NCHUNKS // _NBUF, chunk_pair, 0)
        for b in range(_NBUF):
            g = _NCHUNKS - _NBUF + b
            pltpu.make_async_copy(src(b), dst(g * _CHUNK), sem_o[b]).wait()

    @pl.when(wid < _NW - 1)
    def _():
        pipeline(_CPW)

    @pl.when(wid == _NW - 1)
    def _():
        pipeline(_C - _CPW * (_NW - 1))


_onehot_sc = functools.partial(
    pl.kernel,
    out_type=jax.ShapeDtypeStruct((_C, _N), jnp.int32),
    mesh=plsc.VectorSubcoreMesh(
        core_axis_name="c", subcore_axis_name="s",
        num_cores=_NC, num_subcores=_NS,
    ),
    scratch_types=(
        [pltpu.VMEM((_CPW, _CHUNK), jnp.int32) for _ in range(_NBUF)]
        + [pltpu.VMEM((_N,), jnp.int32)]
        + [pltpu.SemaphoreType.DMA for _ in range(1 + _NBUF)]
    ),
    compiler_params=pltpu.CompilerParams(needs_layout_passes=False),
)(_onehot_body)


def kernel(x):
    return _onehot_sc(x).T

# --- scband reference (transcript-rebuilt; emitter-appended) ---
"""Pipeline reference for scband-onehot-22737556865189 (READ-ONLY COPY).

The authoritative reference and input builder live on the scoring server;
editing this copy changes nothing except your own understanding.
"""

import jax, jax.numpy as jnp
import numpy as np

NUM_CLASSES = 1000

def setup_inputs(seed: int = 0) -> dict:
    key = jax.random.key(seed)
    x = jax.random.randint(key, (16384,), 0, NUM_CLASSES, dtype=jnp.int32)
    return {"x": x}

def reference(x):
    # Faithful translation of torch.nn.functional.one_hot(x, num_classes):
    # integer-typed one-hot matrix of shape x.shape + (num_classes,).
    out = (x[..., None] == jnp.arange(NUM_CLASSES, dtype=x.dtype)).astype(jnp.int32)
    return out

if __name__ == "__main__":
    import jax
    _d = setup_inputs()
    print(jax.jit(kernel)(*tuple(_d.values())))

</pallas_src>

<mosaic_0001>
#map = affine_map<(d0, d1) -> (0)>
#map1 = affine_map<(d0, d1) -> (0, 0)>
module attributes {stable_mosaic.version = 14 : i64} {
  func.func @_onehot_body(%arg0: i32, %arg1: i32, %arg2: memref<16384xi32, #tpu.memory_space<hbm>>, %arg3: memref<1000x16384xi32, #tpu.memory_space<hbm>>, %arg4: memref<32x1024xi32, #tpu.memory_space<vmem>>, %arg5: memref<32x1024xi32, #tpu.memory_space<vmem>>, %arg6: memref<16384xi32, #tpu.memory_space<vmem>>, %arg7: memref<!tpu.dma_semaphore, #tpu.memory_space<semaphore_mem>>, %arg8: memref<!tpu.dma_semaphore, #tpu.memory_space<semaphore_mem>>, %arg9: memref<!tpu.dma_semaphore, #tpu.memory_space<semaphore_mem>>) attributes {dimension_semantics = [#tpu.dimension_semantics<core_parallel>, #tpu.dimension_semantics<subcore_parallel>], iteration_bounds = array<i64: 2, 16>, scalar_prefetch = 0 : i64, scratch_operands = 6 : i64, tpu.core_type = #tpu.core_type<sc_vector_subcore>, window_params = [{transform_indices = #map}, {transform_indices = #map1}]} {
    %mul3A = arith.constant 2 : i32
    %mul3A_0 = arith.muli %arg1, %mul3A : i32
    %add3A = arith.addi %mul3A_0, %arg0 : i32
    %mul3A_1 = arith.constant 32 : i32
    %mul3A_2 = arith.muli %add3A, %mul3A_1 : i32
    %broadcast_in_dim3A = arith.constant 0 : i32
    %broadcast_in_dim3A_3 = vector.broadcast %broadcast_in_dim3A : i32 to vector<16xi32>
    %broadcast_in_dim3A_4 = arith.constant 1 : i32
    %broadcast_in_dim3A_5 = vector.broadcast %broadcast_in_dim3A_4 : i32 to vector<16xi32>
    %iota3A = tpu.iota {dimensions = array<i32: 0>} : vector<16xi32>
    tpu.enqueue_dma source(%arg2 : memref<16384xi32, #tpu.memory_space<hbm>>) target(%arg6 : memref<16384xi32, #tpu.memory_space<vmem>>) target_semaphore(%arg7 : memref<!tpu.dma_semaphore, #tpu.memory_space<semaphore_mem>>)
    %scan3A = arith.constant 0 : i32
    %scan3A_6 = arith.constant 0 : i32
    %scan3A_7 = arith.constant 32 : i32
    %scan3A_8 = arith.addi %scan3A_6, %scan3A_7 : i32
    %scan3A_9 = arith.constant 1 : i32
    scf.for %scan3A_21 = %scan3A_6 to %scan3A_8 step %scan3A_9  : i32 {
      %swap3A = arith.index_cast %scan3A_21 : i32 to index
      %swap3A_22 = arith.constant 0 : index
      %swap3A_23 = tpu.vector_load %arg4[%swap3A, %swap3A_22] {strides = array<i32>} : memref<32x1024xi32, #tpu.memory_space<vmem>>, vector<16xi32>,
      tpu.vector_store %arg4[%swap3A, %swap3A_22], %broadcast_in_dim3A_3 {strides = array<i32>} : memref<32x1024xi32, #tpu.memory_space<vmem>>, vector<16xi32>,
      %swap3A_24 = arith.index_cast %scan3A_21 : i32 to index
      %swap3A_25 = arith.constant 16 : index
      %swap3A_26 = tpu.vector_load %arg4[%swap3A_24, %swap3A_25] {strides = array<i32>} : memref<32x1024xi32, #tpu.memory_space<vmem>>, vector<16xi32>,
      tpu.vector_store %arg4[%swap3A_24, %swap3A_25], %broadcast_in_dim3A_3 {strides = array<i32>} : memref<32x1024xi32, #tpu.memory_space<vmem>>, vector<16xi32>,
      %swap3A_27 = arith.index_cast %scan3A_21 : i32 to index
      %swap3A_28 = arith.constant 32 : index
      %swap3A_29 = tpu.vector_load %arg4[%swap3A_27, %swap3A_28] {strides = array<i32>} : memref<32x1024xi32, #tpu.memory_space<vmem>>, vector<16xi32>,
      tpu.vector_store %arg4[%swap3A_27, %swap3A_28], %broadcast_in_dim3A_3 {strides = array<i32>} : memref<32x1024xi32, #tpu.memory_space<vmem>>, vector<16xi32>,
      %swap3A_30 = arith.index_cast %scan3A_21 : i32 to index
      %swap3A_31 = arith.constant 48 : index
      %swap3A_32 = tpu.vector_load %arg4[%swap3A_30, %swap3A_31] {strides = array<i32>} : memref<32x1024xi32, #tpu.memory_space<vmem>>, vector<16xi32>,
      tpu.vector_store %arg4[%swap3A_30, %swap3A_31], %broadcast_in_dim3A_3 {strides = array<i32>} : memref<32x1024xi32, #tpu.memory_space<vmem>>, vector<16xi32>,
      %swap3A_33 = arith.index_cast %scan3A_21 : i32 to index
      %swap3A_34 = arith.constant 64 : index
      %swap3A_35 = tpu.vector_load %arg4[%swap3A_33, %swap3A_34] {strides = array<i32>} : memref<32x1024xi32, #tpu.memory_space<vmem>>, vector<16xi32>,
      tpu.vector_store %arg4[%swap3A_33, %swap3A_34], %broadcast_in_dim3A_3 {strides = array<i32>} : memref<32x1024xi32, #tpu.memory_space<vmem>>, vector<16xi32>,
      %swap3A_36 = arith.index_cast %scan3A_21 : i32 to index
      %swap3A_37 = arith.constant 80 : index
      %swap3A_38 = tpu.vector_load %arg4[%swap3A_36, %swap3A_37] {strides = array<i32>} : memref<32x1024xi32, #tpu.memory_space<vmem>>, vector<16xi32>,
      tpu.vector_store %arg4[%swap3A_36, %swap3A_37], %broadcast_in_dim3A_3 {strides = array<i32>} : memref<32x1024xi32, #tpu.memory_space<vmem>>, vector<16xi32>,
      %swap3A_39 = arith.index_cast %scan3A_21 : i32 to index
      %swap3A_40 = arith.constant 96 : index
      %swap3A_41 = tpu.vector_load %arg4[%swap3A_39, %swap3A_40] {strides = array<i32>} : memref<32x1024xi32, #tpu.memory_space<vmem>>, vector<16xi32>,
      tpu.vector_store %arg4[%swap3A_39, %swap3A_40], %broadcast_in_dim3A_3 {strides = array<i32>} : memref<32x1024xi32, #tpu.memory_space<vmem>>, vector<16xi32>,
      %swap3A_42 = arith.index_cast %scan3A_21 : i32 to index
      %swap3A_43 = arith.constant 112 : index
      %swap3A_44 = tpu.vector_load %arg4[%swap3A_42, %swap3A_43] {strides = array<i32>} : memref<32x1024xi32, #tpu.memory_space<vmem>>, vector<16xi32>,
      tpu.vector_store %arg4[%swap3A_42, %swap3A_43], %broadcast_in_dim3A_3 {strides = array<i32>} : memref<32x1024xi32, #tpu.memory_space<vmem>>, vector<16xi32>,
      %swap3A_45 = arith.index_cast %scan3A_21 : i32 to index
      %swap3A_46 = arith.constant 128 : index
      %swap3A_47 = tpu.vector_load %arg4[%swap3A_45, %swap3A_46] {strides = array<i32>} : memref<32x1024xi32, #tpu.memory_space<vmem>>, vector<16xi32>,
      tpu.vector_store %arg4[%swap3A_45, %swap3A_46], %broadcast_in_dim3A_3 {strides = array<i32>} : memref<32x1024xi32, #tpu.memory_space<vmem>>, vector<16xi32>,
      %swap3A_48 = arith.index_cast %scan3A_21 : i32 to index
      %swap3A_49 = arith.constant 144 : index
      %swap3A_50 = tpu.vector_load %arg4[%swap3A_48, %swap3A_49] {strides = array<i32>} : memref<32x1024xi32, #tpu.memory_space<vmem>>, vector<16xi32>,
      tpu.vector_store %arg4[%swap3A_48, %swap3A_49], %broadcast_in_dim3A_3 {strides = array<i32>} : memref<32x1024xi32, #tpu.memory_space<vmem>>, vector<16xi32>,
      %swap3A_51 = arith.index_cast %scan3A_21 : i32 to index
      %swap3A_52 = arith.constant 160 : index
      %swap3A_53 = tpu.vector_load %arg4[%swap3A_51, %swap3A_52] {strides = array<i32>} : memref<32x1024xi32, #tpu.memory_space<vmem>>, vector<16xi32>,
      tpu.vector_store %arg4[%swap3A_51, %swap3A_52], %broadcast_in_dim3A_3 {strides = array<i32>} : memref<32x1024xi32, #tpu.memory_space<vmem>>, vector<16xi32>,
      %swap3A_54 = arith.index_cast %scan3A_21 : i32 to index
      %swap3A_55 = arith.constant 176 : index
      %swap3A_56 = tpu.vector_load %arg4[%swap3A_54, %swap3A_55] {strides = array<i32>} : memref<32x1024xi32, #tpu.memory_space<vmem>>, vector<16xi32>,
      tpu.vector_store %arg4[%swap3A_54, %swap3A_55], %broadcast_in_dim3A_3 {strides = array<i32>} : memref<32x1024xi32, #tpu.memory_space<vmem>>, vector<16xi32>,
      %swap3A_57 = arith.index_cast %scan3A_21 : i32 to index
      %swap3A_58 = arith.constant 192 : index
      %swap3A_59 = tpu.vector_load %arg4[%swap3A_57, %swap3A_58] {strides = array<i32>} : memref<32x1024xi32, #tpu.memory_space<vmem>>, vector<16xi32>,
      tpu.vector_store %arg4[%swap3A_57, %swap3A_58], %broadcast_in_dim3A_3 {strides = array<i32>} : memref<32x1024xi32, #tpu.memory_space<vmem>>, vector<16xi32>,
      %swap3A_60 = arith.index_cast %scan3A_21 : i32 to index
      %swap3A_61 = arith.constant 208 : index
      %swap3A_62 = tpu.vector_load %arg4[%swap3A_60, %swap3A_61] {strides = array<i32>} : memref<32x1024xi32, #tpu.memory_space<vmem>>, vector<16xi32>,
      tpu.vector_store %arg4[%swap3A_60, %swap3A_61], %broadcast_in_dim3A_3 {strides = array<i32>} : memref<32x1024xi32, #tpu.memory_space<vmem>>, vector<16xi32>,
      %swap3A_63 = arith.index_cast %scan3A_21 : i32 to index
      %swap3A_64 = arith.constant 224 : index
      %swap3A_65 = tpu.vector_load %arg4[%swap3A_63, %swap3A_64] {strides = array<i32>} : memref<32x1024xi32, #tpu.memory_space<vmem>>, vector<16xi32>,
      tpu.vector_store %arg4[%swap3A_63, %swap3A_64], %broadcast_in_dim3A_3 {strides = array<i32>} : memref<32x1024xi32, #tpu.memory_space<vmem>>, vector<16xi32>,
      %swap3A_66 = arith.index_cast %scan3A_21 : i32 to index
      %swap3A_67 = arith.constant 240 : index
      %swap3A_68 = tpu.vector_load %arg4[%swap3A_66, %swap3A_67] {strides = array<i32>} : memref<32x1024xi32, #tpu.memory_space<vmem>>, vector<16xi32>,
      tpu.vector_store %arg4[%swap3A_66, %swap3A_67], %broadcast_in_dim3A_3 {strides = array<i32>} : memref<32x1024xi32, #tpu.memory_space<vmem>>, vector<16xi32>,
      %swap3A_69 = arith.index_cast %scan3A_21 : i32 to index
      %swap3A_70 = arith.constant 256 : index
      %swap3A_71 = tpu.vector_load %arg4[%swap3A_69, %swap3A_70] {strides = array<i32>} : memref<32x1024xi32, #tpu.memory_space<vmem>>, vector<16xi32>,
      tpu.vector_store %arg4[%swap3A_69, %swap3A_70], %broadcast_in_dim3A_3 {strides = array<i32>} : memref<32x1024xi32, #tpu.memory_space<vmem>>, vector<16xi32>,
      %swap3A_72 = arith.index_cast %scan3A_21 : i32 to index
      %swap3A_73 = arith.constant 272 : index
      %swap3A_74 = tpu.vector_load %arg4[%swap3A_72, %swap3A_73] {strides = array<i32>} : memref<32x1024xi32, #tpu.memory_space<vmem>>, vector<16xi32>,
      tpu.vector_store %arg4[%swap3A_72, %swap3A_73], %broadcast_in_dim3A_3 {strides = array<i32>} : memref<32x1024xi32, #tpu.memory_space<vmem>>, vector<16xi32>,
      %swap3A_75 = arith.index_cast %scan3A_21 : i32 to index
      %swap3A_76 = arith.constant 288 : index
      %swap3A_77 = tpu.vector_load %arg4[%swap3A_75, %swap3A_76] {strides = array<i32>} : memref<32x1024xi32, #tpu.memory_space<vmem>>, vector<16xi32>,
      tpu.vector_store %arg4[%swap3A_75, %swap3A_76], %broadcast_in_dim3A_3 {strides = array<i32>} : memref<32x1024xi32, #tpu.memory_space<vmem>>, vector<16xi32>,
      %swap3A_78 = arith.index_cast %scan3A_21 : i32 to index
      %swap3A_79 = arith.constant 304 : index
      %swap3A_80 = tpu.vector_load %arg4[%swap3A_78, %swap3A_79] {strides = array<i32>} : memref<32x1024xi32, #tpu.memory_space<vmem>>, vector<16xi32>,
      tpu.vector_store %arg4[%swap3A_78, %swap3A_79], %broadcast_in_dim3A_3 {strides = array<i32>} : memref<32x1024xi32, #tpu.memory_space<vmem>>, vector<16xi32>,
      %swap3A_81 = arith.index_cast %scan3A_21 : i32 to index
      %swap3A_82 = arith.constant 320 : index
      %swap3A_83 = tpu.vector_load %arg4[%swap3A_81, %swap3A_82] {strides = array<i32>} : memref<32x1024xi32, #tpu.memory_space<vmem>>, vector<16xi32>,
      tpu.vector_store %arg4[%swap3A_81, %swap3A_82], %broadcast_in_dim3A_3 {strides = array<i32>} : memref<32x1024xi32, #tpu.memory_space<vmem>>, vector<16xi32>,
      %swap3A_84 = arith.index_cast %scan3A_21 : i32 to index
      %swap3A_85 = arith.constant 336 : index
      %swap3A_86 = tpu.vector_load %arg4[%swap3A_84, %swap3A_85] {strides = array<i32>} : memref<32x1024xi32, #tpu.memory_space<vmem>>, vector<16xi32>,
      tpu.vector_store %arg4[%swap3A_84, %swap3A_85], %broadcast_in_dim3A_3 {strides = array<i32>} : memref<32x1024xi32, #tpu.memory_space<vmem>>, vector<16xi32>,
      %swap3A_87 = arith.index_cast %scan3A_21 : i32 to index
      %swap3A_88 = arith.constant 352 : index
      %swap3A_89 = tpu.vector_load %arg4[%swap3A_87, %swap3A_88] {strides = array<i32>} : memref<32x1024xi32, #tpu.memory_space<vmem>>, vector<16xi32>,
      tpu.vector_store %arg4[%swap3A_87, %swap3A_88], %broadcast_in_dim3A_3 {strides = array<i32>} : memref<32x1024xi32, #tpu.memory_space<vmem>>, vector<16xi32>,
      %swap3A_90 = arith.index_cast %scan3A_21 : i32 to index
      %swap3A_91 = arith.constant 368 : index
      %swap3A_92 = tpu.vector_load %arg4[%swap3A_90, %swap3A_91] {strides = array<i32>} : memref<32x1024xi32, #tpu.memory_space<vmem>>, vector<16xi32>,
      tpu.vector_store %arg4[%swap3A_90, %swap3A_91], %broadcast_in_dim3A_3 {strides = array<i32>} : memref<32x1024xi32, #tpu.memory_space<vmem>>, vector<16xi32>,
      %swap3A_93 = arith.index_cast %scan3A_21 : i32 to index
      %swap3A_94 = arith.constant 384 : index
      %swap3A_95 = tpu.vector_load %arg4[%swap3A_93, %swap3A_94] {strides = array<i32>} : memref<32x1024xi32, #tpu.memory_space<vmem>>, vector<16xi32>,
      tpu.vector_store %arg4[%swap3A_93, %swap3A_94], %broadcast_in_dim3A_3 {strides = array<i32>} : memref<32x1024xi32, #tpu.memory_space<vmem>>, vector<16xi32>,
      %swap3A_96 = arith.index_cast %scan3A_21 : i32 to index
      %swap3A_97 = arith.constant 400 : index
      %swap3A_98 = tpu.vector_load %arg4[%swap3A_96, %swap3A_97] {strides = array<i32>} : memref<32x1024xi32, #tpu.memory_space<vmem>>, vector<16xi32>,
      tpu.vector_store %arg4[%swap3A_96, %swap3A_97], %broadcast_in_dim3A_3 {strides = array<i32>} : memref<32x1024xi32, #tpu.memory_space<vmem>>, vector<16xi32>,
      %swap3A_99 = arith.index_cast %scan3A_21 : i32 to index
      %swap3A_100 = arith.constant 416 : index
      %swap3A_101 = tpu.vector_load %arg4[%swap3A_99, %swap3A_100] {strides = array<i32>} : memref<32x1024xi32, #tpu.memory_space<vmem>>, vector<16xi32>,
      tpu.vector_store %arg4[%swap3A_99, %swap3A_100], %broadcast_in_dim3A_3 {strides = array<i32>} : memref<32x1024xi32, #tpu.memory_space<vmem>>, vector<16xi32>,
      %swap3A_102 = arith.index_cast %scan3A_21 : i32 to index
      %swap3A_103 = arith.constant 432 : index
      %swap3A_104 = tpu.vector_load %arg4[%swap3A_102, %swap3A_103] {strides = array<i32>} : memref<32x1024xi32, #tpu.memory_space<vmem>>, vector<16xi32>,
      tpu.vector_store %arg4[%swap3A_102, %swap3A_103], %broadcast_in_dim3A_3 {strides = array<i32>} : memref<32x1024xi32, #tpu.memory_space<vmem>>, vector<16xi32>,
      %swap3A_105 = arith.index_cast %scan3A_21 : i32 to index
      %swap3A_106 = arith.constant 448 : index
      %swap3A_107 = tpu.vector_load %arg4[%swap3A_105, %swap3A_106] {strides = array<i32>} : memref<32x1024xi32, #tpu.memory_space<vmem>>, vector<16xi32>,
      tpu.vector_store %arg4[%swap3A_105, %swap3A_106], %broadcast_in_dim3A_3 {strides = array<i32>} : memref<32x1024xi32, #tpu.memory_space<vmem>>, vector<16xi32>,
      %swap3A_108 = arith.index_cast %scan3A_21 : i32 to index
      %swap3A_109 = arith.constant 464 : index
      %swap3A_110 = tpu.vector_load %arg4[%swap3A_108, %swap3A_109] {strides = array<i32>} : memref<32x1024xi32, #tpu.memory_space<vmem>>, vector<16xi32>,
      tpu.vector_store %arg4[%swap3A_108, %swap3A_109], %broadcast_in_dim3A_3 {strides = array<i32>} : memref<32x1024xi32, #tpu.memory_space<vmem>>, vector<16xi32>,
      %swap3A_111 = arith.index_cast %scan3A_21 : i32 to index
      %swap3A_112 = arith.constant 480 : index
      %swap3A_113 = tpu.vector_load %arg4[%swap3A_111, %swap3A_112] {strides = array<i32>} : memref<32x1024xi32, #tpu.memory_space<vmem>>, vector<16xi32>,
      tpu.vector_store %arg4[%swap3A_111, %swap3A_112], %broadcast_in_dim3A_3 {strides = array<i32>} : memref<32x1024xi32, #tpu.memory_space<vmem>>, vector<16xi32>,
      %swap3A_114 = arith.index_cast %scan3A_21 : i32 to index
      %swap3A_115 = arith.constant 496 : index
      %swap3A_116 = tpu.vector_load %arg4[%swap3A_114, %swap3A_115] {strides = array<i32>} : memref<32x1024xi32, #tpu.memory_space<vmem>>, vector<16xi32>,
      tpu.vector_store %arg4[%swap3A_114, %swap3A_115], %broadcast_in_dim3A_3 {strides = array<i32>} : memref<32x1024xi32, #tpu.memory_space<vmem>>, vector<16xi32>,
      %swap3A_117 = arith.index_cast %scan3A_21 : i32 to index
      %swap3A_118 = arith.constant 512 : index
      %swap3A_119 = tpu.vector_load %arg4[%swap3A_117, %swap3A_118] {strides = array<i32>} : memref<32x1024xi32, #tpu.memory_space<vmem>>, vector<16xi32>,
      tpu.vector_store %arg4[%swap3A_117, %swap3A_118], %broadcast_in_dim3A_3 {strides = array<i32>} : memref<32x1024xi32, #tpu.memory_space<vmem>>, vector<16xi32>,
      %swap3A_120 = arith.index_cast %scan3A_21 : i32 to index
      %swap3A_121 = arith.constant 528 : index
      %swap3A_122 = tpu.vector_load %arg4[%swap3A_120, %swap3A_121] {strides = array<i32>} : memref<32x1024xi32, #tpu.memory_space<vmem>>, vector<16xi32>,
      tpu.vector_store %arg4[%swap3A_120, %swap3A_121], %broadcast_in_dim3A_3 {strides = array<i32>} : memref<32x1024xi32, #tpu.memory_space<vmem>>, vector<16xi32>,
      %swap3A_123 = arith.index_cast %scan3A_21 : i32 to index
      %swap3A_124 = arith.constant 544 : index
      %swap3A_125 = tpu.vector_load %arg4[%swap3A_123, %swap3A_124] {strides = array<i32>} : memref<32x1024xi32, #tpu.memory_space<vmem>>, vector<16xi32>,
      tpu.vector_store %arg4[%swap3A_123, %swap3A_124], %broadcast_in_dim3A_3 {strides = array<i32>} : memref<32x1024xi32, #tpu.memory_space<vmem>>, vector<16xi32>,
      %swap3A_126 = arith.index_cast %scan3A_21 : i32 to index
      %swap3A_127 = arith.constant 560 : index
      %swap3A_128 = tpu.vector_load %arg4[%swap3A_126, %swap3A_127] {strides = array<i32>} : memref<32x1024xi32, #tpu.memory_space<vmem>>, vector<16xi32>,
      tpu.vector_store %arg4[%swap3A_126, %swap3A_127], %broadcast_in_dim3A_3 {strides = array<i32>} : memref<32x1024xi32, #tpu.memory_space<vmem>>, vector<16xi32>,
      %swap3A_129 = arith.index_cast %scan3A_21 : i32 to index
      %swap3A_130 = arith.constant 576 : index
      %swap3A_131 = tpu.vector_load %arg4[%swap3A_129, %swap3A_130] {strides = array<i32>} : memref<32x1024xi32, #tpu.memory_space<vmem>>, vector<16xi32>,
      tpu.vector_store %arg4[%swap3A_129, %swap3A_130], %broadcast_in_dim3A_3 {strides = array<i32>} : memref<32x1024xi32, #tpu.memory_space<vmem>>, vector<16xi32>,
      %swap3A_132 = arith.index_cast %scan3A_21 : i32 to index
      %swap3A_133 = arith.constant 592 : index
      %swap3A_134 = tpu.vector_load %arg4[%swap3A_132, %swap3A_133] {strides = array<i32>} : memref<32x1024xi32, #tpu.memory_space<vmem>>, vector<16xi32>,
      tpu.vector_store %arg4[%swap3A_132, %swap3A_133], %broadcast_in_dim3A_3 {strides = array<i32>} : memref<32x1024xi32, #tpu.memory_space<vmem>>, vector<16xi32>,
      %swap3A_135 = arith.index_cast %scan3A_21 : i32 to index
      %swap3A_136 = arith.constant 608 : index
      %swap3A_137 = tpu.vector_load %arg4[%swap3A_135, %swap3A_136] {strides = array<i32>} : memref<32x1024xi32, #tpu.memory_space<vmem>>, vector<16xi32>,
      tpu.vector_store %arg4[%swap3A_135, %swap3A_136], %broadcast_in_dim3A_3 {strides = array<i32>} : memref<32x1024xi32, #tpu.memory_space<vmem>>, vector<16xi32>,
      %swap3A_138 = arith.index_cast %scan3A_21 : i32 to index
      %swap3A_139 = arith.constant 624 : index
      %swap3A_140 = tpu.vector_load %arg4[%swap3A_138, %swap3A_139] {strides = array<i32>} : memref<32x1024xi32, #tpu.memory_space<vmem>>, vector<16xi32>,
      tpu.vector_store %arg4[%swap3A_138, %swap3A_139], %broadcast_in_dim3A_3 {strides = array<i32>} : memref<32x1024xi32, #tpu.memory_space<vmem>>, vector<16xi32>,
      %swap3A_141 = arith.index_cast %scan3A_21 : i32 to index
      %swap3A_142 = arith.constant 640 : index
      %swap3A_143 = tpu.vector_load %arg4[%swap3A_141, %swap3A_142] {strides = array<i32>} : memref<32x1024xi32, #tpu.memory_space<vmem>>, vector<16xi32>,
      tpu.vector_store %arg4[%swap3A_141, %swap3A_142], %broadcast_in_dim3A_3 {strides = array<i32>} : memref<32x1024xi32, #tpu.memory_space<vmem>>, vector<16xi32>,
      %swap3A_144 = arith.index_cast %scan3A_21 : i32 to index
      %swap3A_145 = arith.constant 656 : index
      %swap3A_146 = tpu.vector_load %arg4[%swap3A_144, %swap3A_145] {strides = array<i32>} : memref<32x1024xi32, #tpu.memory_space<vmem>>, vector<16xi32>,
      tpu.vector_store %arg4[%swap3A_144, %swap3A_145], %broadcast_in_dim3A_3 {strides = array<i32>} : memref<32x1024xi32, #tpu.memory_space<vmem>>, vector<16xi32>,
      %swap3A_147 = arith.index_cast %scan3A_21 : i32 to index
      %swap3A_148 = arith.constant 672 : index
      %swap3A_149 = tpu.vector_load %arg4[%swap3A_147, %swap3A_148] {strides = array<i32>} : memref<32x1024xi32, #tpu.memory_space<vmem>>, vector<16xi32>,
      tpu.vector_store %arg4[%swap3A_147, %swap3A_148], %broadcast_in_dim3A_3 {strides = array<i32>} : memref<32x1024xi32, #tpu.memory_space<vmem>>, vector<16xi32>,
      %swap3A_150 = arith.index_cast %scan3A_21 : i32 to index
      %swap3A_151 = arith.constant 688 : index
      %swap3A_152 = tpu.vector_load %arg4[%swap3A_150, %swap3A_151] {strides = array<i32>} : memref<32x1024xi32, #tpu.memory_space<vmem>>, vector<16xi32>,
      tpu.vector_store %arg4[%swap3A_150, %swap3A_151], %broadcast_in_dim3A_3 {strides = array<i32>} : memref<32x1024xi32, #tpu.memory_space<vmem>>, vector<16xi32>,
      %swap3A_153 = arith.index_cast %scan3A_21 : i32 to index
      %swap3A_154 = arith.constant 704 : index
      %swap3A_155 = tpu.vector_load %arg4[%swap3A_153, %swap3A_154] {strides = array<i32>} : memref<32x1024xi32, #tpu.memory_space<vmem>>, vector<16xi32>,
      tpu.vector_store %arg4[%swap3A_153, %swap3A_154], %broadcast_in_dim3A_3 {strides = array<i32>} : memref<32x1024xi32, #tpu.memory_space<vmem>>, vector<16xi32>,
      %swap3A_156 = arith.index_cast %scan3A_21 : i32 to index
      %swap3A_157 = arith.constant 720 : index
      %swap3A_158 = tpu.vector_load %arg4[%swap3A_156, %swap3A_157] {strides = array<i32>} : memref<32x1024xi32, #tpu.memory_space<vmem>>, vector<16xi32>,
      tpu.vector_store %arg4[%swap3A_156, %swap3A_157], %broadcast_in_dim3A_3 {strides = array<i32>} : memref<32x1024xi32, #tpu.memory_space<vmem>>, vector<16xi32>,
      %swap3A_159 = arith.index_cast %scan3A_21 : i32 to index
      %swap3A_160 = arith.constant 736 : index
      %swap3A_161 = tpu.vector_load %arg4[%swap3A_159, %swap3A_160] {strides = array<i32>} : memref<32x1024xi32, #tpu.memory_space<vmem>>, vector<16xi32>,
      tpu.vector_store %arg4[%swap3A_159, %swap3A_160], %broadcast_in_dim3A_3 {strides = array<i32>} : memref<32x1024xi32, #tpu.memory_space<vmem>>, vector<16xi32>,
      %swap3A_162 = arith.index_cast %scan3A_21 : i32 to index
      %swap3A_163 = arith.constant 752 : index
      %swap3A_164 = tpu.vector_load %arg4[%swap3A_162, %swap3A_163] {strides = array<i32>} : memref<32x1024xi32, #tpu.memory_space<vmem>>, vector<16xi32>,
      tpu.vector_store %arg4[%swap3A_162, %swap3A_163], %broadcast_in_dim3A_3 {strides = array<i32>} : memref<32x1024xi32, #tpu.memory_space<vmem>>, vector<16xi32>,
      %swap3A_165 = arith.index_cast %scan3A_21 : i32 to index
      %swap3A_166 = arith.constant 768 : index
      %swap3A_167 = tpu.vector_load %arg4[%swap3A_165, %swap3A_166] {strides = array<i32>} : memref<32x1024xi32, #tpu.memory_space<vmem>>, vector<16xi32>,
      tpu.vector_store %arg4[%swap3A_165, %swap3A_166], %broadcast_in_dim3A_3 {strides = array<i32>} : memref<32x1024xi32, #tpu.memory_space<vmem>>, vector<16xi32>,
      %swap3A_168 = arith.index_cast %scan3A_21 : i32 to index
      %swap3A_169 = arith.constant 784 : index
      %swap3A_170 = tpu.vector_load %arg4[%swap3A_168, %swap3A_169] {strides = array<i32>} : memref<32x1024xi32, #tpu.memory_space<vmem>>, vector<16xi32>,
      tpu.vector_store %arg4[%swap3A_168, %swap3A_169], %broadcast_in_dim3A_3 {strides = array<i32>} : memref<32x1024xi32, #tpu.memory_space<vmem>>, vector<16xi32>,
      %swap3A_171 = arith.index_cast %scan3A_21 : i32 to index
      %swap3A_172 = arith.constant 800 : index
      %swap3A_173 = tpu.vector_load %arg4[%swap3A_171, %swap3A_172] {strides = array<i32>} : memref<32x1024xi32, #tpu.memory_space<vmem>>, vector<16xi32>,
      tpu.vector_store %arg4[%swap3A_171, %swap3A_172], %broadcast_in_dim3A_3 {strides = array<i32>} : memref<32x1024xi32, #tpu.memory_space<vmem>>, vector<16xi32>,
      %swap3A_174 = arith.index_cast %scan3A_21 : i32 to index
      %swap3A_175 = arith.constant 816 : index
      %swap3A_176 = tpu.vector_load %arg4[%swap3A_174, %swap3A_175] {strides = array<i32>} : memref<32x1024xi32, #tpu.memory_space<vmem>>, vector<16xi32>,
      tpu.vector_store %arg4[%swap3A_174, %swap3A_175], %broadcast_in_dim3A_3 {strides = array<i32>} : memref<32x1024xi32, #tpu.memory_space<vmem>>, vector<16xi32>,
      %swap3A_177 = arith.index_cast %scan3A_21 : i32 to index
      %swap3A_178 = arith.constant 832 : index
      %swap3A_179 = tpu.vector_load %arg4[%swap3A_177, %swap3A_178] {strides = array<i32>} : memref<32x1024xi32, #tpu.memory_space<vmem>>, vector<16xi32>,
      tpu.vector_store %arg4[%swap3A_177, %swap3A_178], %broadcast_in_dim3A_3 {strides = array<i32>} : memref<32x1024xi32, #tpu.memory_space<vmem>>, vector<16xi32>,
      %swap3A_180 = arith.index_cast %scan3A_21 : i32 to index
      %swap3A_181 = arith.constant 848 : index
      %swap3A_182 = tpu.vector_load %arg4[%swap3A_180, %swap3A_181] {strides = array<i32>} : memref<32x1024xi32, #tpu.memory_space<vmem>>, vector<16xi32>,
      tpu.vector_store %arg4[%swap3A_180, %swap3A_181], %broadcast_in_dim3A_3 {strides = array<i32>} : memref<32x1024xi32, #tpu.memory_space<vmem>>, vector<16xi32>,
      %swap3A_183 = arith.index_cast %scan3A_21 : i32 to index
      %swap3A_184 = arith.constant 864 : index
      %swap3A_185 = tpu.vector_load %arg4[%swap3A_183, %swap3A_184] {strides = array<i32>} : memref<32x1024xi32, #tpu.memory_space<vmem>>, vector<16xi32>,
      tpu.vector_store %arg4[%swap3A_183, %swap3A_184], %broadcast_in_dim3A_3 {strides = array<i32>} : memref<32x1024xi32, #tpu.memory_space<vmem>>, vector<16xi32>,
      %swap3A_186 = arith.index_cast %scan3A_21 : i32 to index
      %swap3A_187 = arith.constant 880 : index
      %swap3A_188 = tpu.vector_load %arg4[%swap3A_186, %swap3A_187] {strides = array<i32>} : memref<32x1024xi32, #tpu.memory_space<vmem>>, vector<16xi32>,
      tpu.vector_store %arg4[%swap3A_186, %swap3A_187], %broadcast_in_dim3A_3 {strides = array<i32>} : memref<32x1024xi32, #tpu.memory_space<vmem>>, vector<16xi32>,
      %swap3A_189 = arith.index_cast %scan3A_21 : i32 to index
      %swap3A_190 = arith.constant 896 : index
      %swap3A_191 = tpu.vector_load %arg4[%swap3A_189, %swap3A_190] {strides = array<i32>} : memref<32x1024xi32, #tpu.memory_space<vmem>>, vector<16xi32>,
      tpu.vector_store %arg4[%swap3A_189, %swap3A_190], %broadcast_in_dim3A_3 {strides = array<i32>} : memref<32x1024xi32, #tpu.memory_space<vmem>>, vector<16xi32>,
      %swap3A_192 = arith.index_cast %scan3A_21 : i32 to index
      %swap3A_193 = arith.constant 912 : index
      %swap3A_194 = tpu.vector_load %arg4[%swap3A_192, %swap3A_193] {strides = array<i32>} : memref<32x1024xi32, #tpu.memory_space<vmem>>, vector<16xi32>,
      tpu.vector_store %arg4[%swap3A_192, %swap3A_193], %broadcast_in_dim3A_3 {strides = array<i32>} : memref<32x1024xi32, #tpu.memory_space<vmem>>, vector<16xi32>,
      %swap3A_195 = arith.index_cast %scan3A_21 : i32 to index
      %swap3A_196 = arith.constant 928 : index
      %swap3A_197 = tpu.vector_load %arg4[%swap3A_195, %swap3A_196] {strides = array<i32>} : memref<32x1024xi32, #tpu.memory_space<vmem>>, vector<16xi32>,
      tpu.vector_store %arg4[%swap3A_195, %swap3A_196], %broadcast_in_dim3A_3 {strides = array<i32>} : memref<32x1024xi32, #tpu.memory_space<vmem>>, vector<16xi32>,
      %swap3A_198 = arith.index_cast %scan3A_21 : i32 to index
      %swap3A_199 = arith.constant 944 : index
      %swap3A_200 = tpu.vector_load %arg4[%swap3A_198, %swap3A_199] {strides = array<i32>} : memref<32x1024xi32, #tpu.memory_space<vmem>>, vector<16xi32>,
      tpu.vector_store %arg4[%swap3A_198, %swap3A_199], %broadcast_in_dim3A_3 {strides = array<i32>} : memref<32x1024xi32, #tpu.memory_space<vmem>>, vector<16xi32>,
      %swap3A_201 = arith.index_cast %scan3A_21 : i32 to index
      %swap3A_202 = arith.constant 960 : index
      %swap3A_203 = tpu.vector_load %arg4[%swap3A_201, %swap3A_202] {strides = array<i32>} : memref<32x1024xi32, #tpu.memory_space<vmem>>, vector<16xi32>,
      tpu.vector_store %arg4[%swap3A_201, %swap3A_202], %broadcast_in_dim3A_3 {strides = array<i32>} : memref<32x1024xi32, #tpu.memory_space<vmem>>, vector<16xi32>,
      %swap3A_204 = arith.index_cast %scan3A_21 : i32 to index
      %swap3A_205 = arith.constant 976 : index
      %swap3A_206 = tpu.vector_load %arg4[%swap3A_204, %swap3A_205] {strides = array<i32>} : memref<32x1024xi32, #tpu.memory_space<vmem>>, vector<16xi32>,
      tpu.vector_store %arg4[%swap3A_204, %swap3A_205], %broadcast_in_dim3A_3 {strides = array<i32>} : memref<32x1024xi32, #tpu.memory_space<vmem>>, vector<16xi32>,
      %swap3A_207 = arith.index_cast %scan3A_21 : i32 to index
      %swap3A_208 = arith.constant 992 : index
      %swap3A_209 = tpu.vector_load %arg4[%swap3A_207, %swap3A_208] {strides = array<i32>} : memref<32x1024xi32, #tpu.memory_space<vmem>>, vector<16xi32>,
      tpu.vector_store %arg4[%swap3A_207, %swap3A_208], %broadcast_in_dim3A_3 {strides = array<i32>} : memref<32x1024xi32, #tpu.memory_space<vmem>>, vector<16xi32>,
      %swap3A_210 = arith.index_cast %scan3A_21 : i32 to index
      %swap3A_211 = arith.constant 1008 : index
      %swap3A_212 = tpu.vector_load %arg4[%swap3A_210, %swap3A_211] {strides = array<i32>} : memref<32x1024xi32, #tpu.memory_space<vmem>>, vector<16xi32>,
      tpu.vector_store %arg4[%swap3A_210, %swap3A_211], %broadcast_in_dim3A_3 {strides = array<i32>} : memref<32x1024xi32, #tpu.memory_space<vmem>>, vector<16xi32>,
      %swap3A_213 = arith.index_cast %scan3A_21 : i32 to index
      %swap3A_214 = arith.constant 0 : index
      %swap3A_215 = tpu.vector_load %arg5[%swap3A_213, %swap3A_214] {strides = array<i32>} : memref<32x1024xi32, #tpu.memory_space<vmem>>, vector<16xi32>,
      tpu.vector_store %arg5[%swap3A_213, %swap3A_214], %broadcast_in_dim3A_3 {strides = array<i32>} : memref<32x1024xi32, #tpu.memory_space<vmem>>, vector<16xi32>,
      %swap3A_216 = arith.index_cast %scan3A_21 : i32 to index
      %swap3A_217 = arith.constant 16 : index
      %swap3A_218 = tpu.vector_load %arg5[%swap3A_216, %swap3A_217] {strides = array<i32>} : memref<32x1024xi32, #tpu.memory_space<vmem>>, vector<16xi32>,
      tpu.vector_store %arg5[%swap3A_216, %swap3A_217], %broadcast_in_dim3A_3 {strides = array<i32>} : memref<32x1024xi32, #tpu.memory_space<vmem>>, vector<16xi32>,
      %swap3A_219 = arith.index_cast %scan3A_21 : i32 to index
      %swap3A_220 = arith.constant 32 : index
      %swap3A_221 = tpu.vector_load %arg5[%swap3A_219, %swap3A_220] {strides = array<i32>} : memref<32x1024xi32, #tpu.memory_space<vmem>>, vector<16xi32>,
      tpu.vector_store %arg5[%swap3A_219, %swap3A_220], %broadcast_in_dim3A_3 {strides = array<i32>} : memref<32x1024xi32, #tpu.memory_space<vmem>>, vector<16xi32>,
      %swap3A_222 = arith.index_cast %scan3A_21 : i32 to index
      %swap3A_223 = arith.constant 48 : index
      %swap3A_224 = tpu.vector_load %arg5[%swap3A_222, %swap3A_223] {strides = array<i32>} : memref<32x1024xi32, #tpu.memory_space<vmem>>, vector<16xi32>,
      tpu.vector_store %arg5[%swap3A_222, %swap3A_223], %broadcast_in_dim3A_3 {strides = array<i32>} : memref<32x1024xi32, #tpu.memory_space<vmem>>, vector<16xi32>,
      %swap3A_225 = arith.index_cast %scan3A_21 : i32 to index
      %swap3A_226 = arith.constant 64 : index
      %swap3A_227 = tpu.vector_load %arg5[%swap3A_225, %swap3A_226] {strides = array<i32>} : memref<32x1024xi32, #tpu.memory_space<vmem>>, vector<16xi32>,
      tpu.vector_store %arg5[%swap3A_225, %swap3A_226], %broadcast_in_dim3A_3 {strides = array<i32>} : memref<32x1024xi32, #tpu.memory_space<vmem>>, vector<16xi32>,
      %swap3A_228 = arith.index_cast %scan3A_21 : i32 to index
      %swap3A_229 = arith.constant 80 : index
      %swap3A_230 = tpu.vector_load %arg5[%swap3A_228, %swap3A_229] {strides = array<i32>} : memref<32x1024xi32, #tpu.memory_space<vmem>>, vector<16xi32>,
      tpu.vector_store %arg5[%swap3A_228, %swap3A_229], %broadcast_in_dim3A_3 {strides = array<i32>} : memref<32x1024xi32, #tpu.memory_space<vmem>>, vector<16xi32>,
      %swap3A_231 = arith.index_cast %scan3A_21 : i32 to index
      %swap3A_232 = arith.constant 96 : index
      %swap3A_233 = tpu.vector_load %arg5[%swap3A_231, %swap3A_232] {strides = array<i32>} : memref<32x1024xi32, #tpu.memory_space<vmem>>, vector<16xi32>,
      tpu.vector_store %arg5[%swap3A_231, %swap3A_232], %broadcast_in_dim3A_3 {strides = array<i32>} : memref<32x1024xi32, #tpu.memory_space<vmem>>, vector<16xi32>,
      %swap3A_234 = arith.index_cast %scan3A_21 : i32 to index
      %swap3A_235 = arith.constant 112 : index
      %swap3A_236 = tpu.vector_load %arg5[%swap3A_234, %swap3A_235] {strides = array<i32>} : memref<32x1024xi32, #tpu.memory_space<vmem>>, vector<16xi32>,
      tpu.vector_store %arg5[%swap3A_234, %swap3A_235], %broadcast_in_dim3A_3 {strides = array<i32>} : memref<32x1024xi32, #tpu.memory_space<vmem>>, vector<16xi32>,
      %swap3A_237 = arith.index_cast %scan3A_21 : i32 to index
      %swap3A_238 = arith.constant 128 : index
      %swap3A_239 = tpu.vector_load %arg5[%swap3A_237, %swap3A_238] {strides = array<i32>} : memref<32x1024xi32, #tpu.memory_space<vmem>>, vector<16xi32>,
      tpu.vector_store %arg5[%swap3A_237, %swap3A_238], %broadcast_in_dim3A_3 {strides = array<i32>} : memref<32x1024xi32, #tpu.memory_space<vmem>>, vector<16xi32>,
      %swap3A_240 = arith.index_cast %scan3A_21 : i32 to index
      %swap3A_241 = arith.constant 144 : index
      %swap3A_242 = tpu.vector_load %arg5[%swap3A_240, %swap3A_241] {strides = array<i32>} : memref<32x1024xi32, #tpu.memory_space<vmem>>, vector<16xi32>,
      tpu.vector_store %arg5[%swap3A_240, %swap3A_241], %broadcast_in_dim3A_3 {strides = array<i32>} : memref<32x1024xi32, #tpu.memory_space<vmem>>, vector<16xi32>,
      %swap3A_243 = arith.index_cast %scan3A_21 : i32 to index
      %swap3A_244 = arith.constant 160 : index
      %swap3A_245 = tpu.vector_load %arg5[%swap3A_243, %swap3A_244] {strides = array<i32>} : memref<32x1024xi32, #tpu.memory_space<vmem>>, vector<16xi32>,
      tpu.vector_store %arg5[%swap3A_243, %swap3A_244], %broadcast_in_dim3A_3 {strides = array<i32>} : memref<32x1024xi32, #tpu.memory_space<vmem>>, vector<16xi32>,
      %swap3A_246 = arith.index_cast %scan3A_21 : i32 to index
      %swap3A_247 = arith.constant 176 : index
      %swap3A_248 = tpu.vector_load %arg5[%swap3A_246, %swap3A_247] {strides = array<i32>} : memref<32x1024xi32, #tpu.memory_space<vmem>>, vector<16xi32>,
      tpu.vector_store %arg5[%swap3A_246, %swap3A_247], %broadcast_in_dim3A_3 {strides = array<i32>} : memref<32x1024xi32, #tpu.memory_space<vmem>>, vector<16xi32>,
      %swap3A_249 = arith.index_cast %scan3A_21 : i32 to index
      %swap3A_250 = arith.constant 192 : index
      %swap3A_251 = tpu.vector_load %arg5[%swap3A_249, %swap3A_250] {strides = array<i32>} : memref<32x1024xi32, #tpu.memory_space<vmem>>, vector<16xi32>,
      tpu.vector_store %arg5[%swap3A_249, %swap3A_250], %broadcast_in_dim3A_3 {strides = array<i32>} : memref<32x1024xi32, #tpu.memory_space<vmem>>, vector<16xi32>,
      %swap3A_252 = arith.index_cast %scan3A_21 : i32 to index
      %swap3A_253 = arith.constant 208 : index
      %swap3A_254 = tpu.vector_load %arg5[%swap3A_252, %swap3A_253] {strides = array<i32>} : memref<32x1024xi32, #tpu.memory_space<vmem>>, vector<16xi32>,
      tpu.vector_store %arg5[%swap3A_252, %swap3A_253], %broadcast_in_dim3A_3 {strides = array<i32>} : memref<32x1024xi32, #tpu.memory_space<vmem>>, vector<16xi32>,
      %swap3A_255 = arith.index_cast %scan3A_21 : i32 to index
      %swap3A_256 = arith.constant 224 : index
      %swap3A_257 = tpu.vector_load %arg5[%swap3A_255, %swap3A_256] {strides = array<i32>} : memref<32x1024xi32, #tpu.memory_space<vmem>>, vector<16xi32>,
      tpu.vector_store %arg5[%swap3A_255, %swap3A_256], %broadcast_in_dim3A_3 {strides = array<i32>} : memref<32x1024xi32, #tpu.memory_space<vmem>>, vector<16xi32>,
      %swap3A_258 = arith.index_cast %scan3A_21 : i32 to index
      %swap3A_259 = arith.constant 240 : index
      %swap3A_260 = tpu.vector_load %arg5[%swap3A_258, %swap3A_259] {strides = array<i32>} : memref<32x1024xi32, #tpu.memory_space<vmem>>, vector<16xi32>,
      tpu.vector_store %arg5[%swap3A_258, %swap3A_259], %broadcast_in_dim3A_3 {strides = array<i32>} : memref<32x1024xi32, #tpu.memory_space<vmem>>, vector<16xi32>,
      %swap3A_261 = arith.index_cast %scan3A_21 : i32 to index
      %swap3A_262 = arith.constant 256 : index
      %swap3A_263 = tpu.vector_load %arg5[%swap3A_261, %swap3A_262] {strides = array<i32>} : memref<32x1024xi32, #tpu.memory_space<vmem>>, vector<16xi32>,
      tpu.vector_store %arg5[%swap3A_261, %swap3A_262], %broadcast_in_dim3A_3 {strides = array<i32>} : memref<32x1024xi32, #tpu.memory_space<vmem>>, vector<16xi32>,
      %swap3A_264 = arith.index_cast %scan3A_21 : i32 to index
      %swap3A_265 = arith.constant 272 : index
      %swap3A_266 = tpu.vector_load %arg5[%swap3A_264, %swap3A_265] {strides = array<i32>} : memref<32x1024xi32, #tpu.memory_space<vmem>>, vector<16xi32>,
      tpu.vector_store %arg5[%swap3A_264, %swap3A_265], %broadcast_in_dim3A_3 {strides = array<i32>} : memref<32x1024xi32, #tpu.memory_space<vmem>>, vector<16xi32>,
      %swap3A_267 = arith.index_cast %scan3A_21 : i32 to index
      %swap3A_268 = arith.constant 288 : index
      %swap3A_269 = tpu.vector_load %arg5[%swap3A_267, %swap3A_268] {strides = array<i32>} : memref<32x1024xi32, #tpu.memory_space<vmem>>, vector<16xi32>,
      tpu.vector_store %arg5[%swap3A_267, %swap3A_268], %broadcast_in_dim3A_3 {strides = array<i32>} : memref<32x1024xi32, #tpu.memory_space<vmem>>, vector<16xi32>,
      %swap3A_270 = arith.index_cast %scan3A_21 : i32 to index
      %swap3A_271 = arith.constant 304 : index
      %swap3A_272 = tpu.vector_load %arg5[%swap3A_270, %swap3A_271] {strides = array<i32>} : memref<32x1024xi32, #tpu.memory_space<vmem>>, vector<16xi32>,
      tpu.vector_store %arg5[%swap3A_270, %swap3A_271], %broadcast_in_dim3A_3 {strides = array<i32>} : memref<32x1024xi32, #tpu.memory_space<vmem>>, vector<16xi32>,
      %swap3A_273 = arith.index_cast %scan3A_21 : i32 to index
      %swap3A_274 = arith.constant 320 : index
      %swap3A_275 = tpu.vector_load %arg5[%swap3A_273, %swap3A_274] {strides = array<i32>} : memref<32x1024xi32, #tpu.memory_space<vmem>>, vector<16xi32>,
      tpu.vector_store %arg5[%swap3A_273, %swap3A_274], %broadcast_in_dim3A_3 {strides = array<i32>} : memref<32x1024xi32, #tpu.memory_space<vmem>>, vector<16xi32>,
      %swap3A_276 = arith.index_cast %scan3A_21 : i32 to index
      %swap3A_277 = arith.constant 336 : index
      %swap3A_278 = tpu.vector_load %arg5[%swap3A_276, %swap3A_277] {strides = array<i32>} : memref<32x1024xi32, #tpu.memory_space<vmem>>, vector<16xi32>,
      tpu.vector_store %arg5[%swap3A_276, %swap3A_277], %broadcast_in_dim3A_3 {strides = array<i32>} : memref<32x1024xi32, #tpu.memory_space<vmem>>, vector<16xi32>,
      %swap3A_279 = arith.index_cast %scan3A_21 : i32 to index
      %swap3A_280 = arith.constant 352 : index
      %swap3A_281 = tpu.vector_load %arg5[%swap3A_279, %swap3A_280] {strides = array<i32>} : memref<32x1024xi32, #tpu.memory_space<vmem>>, vector<16xi32>,
      tpu.vector_store %arg5[%swap3A_279, %swap3A_280], %broadcast_in_dim3A_3 {strides = array<i32>} : memref<32x1024xi32, #tpu.memory_space<vmem>>, vector<16xi32>,
      %swap3A_282 = arith.index_cast %scan3A_21 : i32 to index
      %swap3A_283 = arith.constant 368 : index
      %swap3A_284 = tpu.vector_load %arg5[%swap3A_282, %swap3A_283] {strides = array<i32>} : memref<32x1024xi32, #tpu.memory_space<vmem>>, vector<16xi32>,
      tpu.vector_store %arg5[%swap3A_282, %swap3A_283], %broadcast_in_dim3A_3 {strides = array<i32>} : memref<32x1024xi32, #tpu.memory_space<vmem>>, vector<16xi32>,
      %swap3A_285 = arith.index_cast %scan3A_21 : i32 to index
      %swap3A_286 = arith.constant 384 : index
      %swap3A_287 = tpu.vector_load %arg5[%swap3A_285, %swap3A_286] {strides = array<i32>} : memref<32x1024xi32, #tpu.memory_space<vmem>>, vector<16xi32>,
      tpu.vector_store %arg5[%swap3A_285, %swap3A_286], %broadcast_in_dim3A_3 {strides = array<i32>} : memref<32x1024xi32, #tpu.memory_space<vmem>>, vector<16xi32>,
      %swap3A_288 = arith.index_cast %scan3A_21 : i32 to index
      %swap3A_289 = arith.constant 400 : index
      %swap3A_290 = tpu.vector_load %arg5[%swap3A_288, %swap3A_289] {strides = array<i32>} : memref<32x1024xi32, #tpu.memory_space<vmem>>, vector<16xi32>,
      tpu.vector_store %arg5[%swap3A_288, %swap3A_289], %broadcast_in_dim3A_3 {strides = array<i32>} : memref<32x1024xi32, #tpu.memory_space<vmem>>, vector<16xi32>,
      %swap3A_291 = arith.index_cast %scan3A_21 : i32 to index
      %swap3A_292 = arith.constant 416 : index
      %swap3A_293 = tpu.vector_load %arg5[%swap3A_291, %swap3A_292] {strides = array<i32>} : memref<32x1024xi32, #tpu.memory_space<vmem>>, vector<16xi32>,
      tpu.vector_store %arg5[%swap3A_291, %swap3A_292], %broadcast_in_dim3A_3 {strides = array<i32>} : memref<32x1024xi32, #tpu.memory_space<vmem>>, vector<16xi32>,
      %swap3A_294 = arith.index_cast %scan3A_21 : i32 to index
      %swap3A_295 = arith.constant 432 : index
      %swap3A_296 = tpu.vector_load %arg5[%swap3A_294, %swap3A_295] {strides = array<i32>} : memref<32x1024xi32, #tpu.memory_space<vmem>>, vector<16xi32>,
      tpu.vector_store %arg5[%swap3A_294, %swap3A_295], %broadcast_in_dim3A_3 {strides = array<i32>} : memref<32x1024xi32, #tpu.memory_space<vmem>>, vector<16xi32>,
      %swap3A_297 = arith.index_cast %scan3A_21 : i32 to index
      %swap3A_298 = arith.constant 448 : index
      %swap3A_299 = tpu.vector_load %arg5[%swap3A_297, %swap3A_298] {strides = array<i32>} : memref<32x1024xi32, #tpu.memory_space<vmem>>, vector<16xi32>,
      tpu.vector_store %arg5[%swap3A_297, %swap3A_298], %broadcast_in_dim3A_3 {strides = array<i32>} : memref<32x1024xi32, #tpu.memory_space<vmem>>, vector<16xi32>,
      %swap3A_300 = arith.index_cast %scan3A_21 : i32 to index
      %swap3A_301 = arith.constant 464 : index
      %swap3A_302 = tpu.vector_load %arg5[%swap3A_300, %swap3A_301] {strides = array<i32>} : memref<32x1024xi32, #tpu.memory_space<vmem>>, vector<16xi32>,
      tpu.vector_store %arg5[%swap3A_300, %swap3A_301], %broadcast_in_dim3A_3 {strides = array<i32>} : memref<32x1024xi32, #tpu.memory_space<vmem>>, vector<16xi32>,
      %swap3A_303 = arith.index_cast %scan3A_21 : i32 to index
      %swap3A_304 = arith.constant 480 : index
      %swap3A_305 = tpu.vector_load %arg5[%swap3A_303, %swap3A_304] {strides = array<i32>} : memref<32x1024xi32, #tpu.memory_space<vmem>>, vector<16xi32>,
      tpu.vector_store %arg5[%swap3A_303, %swap3A_304], %broadcast_in_dim3A_3 {strides = array<i32>} : memref<32x1024xi32, #tpu.memory_space<vmem>>, vector<16xi32>,
      %swap3A_306 = arith.index_cast %scan3A_21 : i32 to index
      %swap3A_307 = arith.constant 496 : index
      %swap3A_308 = tpu.vector_load %arg5[%swap3A_306, %swap3A_307] {strides = array<i32>} : memref<32x1024xi32, #tpu.memory_space<vmem>>, vector<16xi32>,
      tpu.vector_store %arg5[%swap3A_306, %swap3A_307], %broadcast_in_dim3A_3 {strides = array<i32>} : memref<32x1024xi32, #tpu.memory_space<vmem>>, vector<16xi32>,
      %swap3A_309 = arith.index_cast %scan3A_21 : i32 to index
      %swap3A_310 = arith.constant 512 : index
      %swap3A_311 = tpu.vector_load %arg5[%swap3A_309, %swap3A_310] {strides = array<i32>} : memref<32x1024xi32, #tpu.memory_space<vmem>>, vector<16xi32>,
      tpu.vector_store %arg5[%swap3A_309, %swap3A_310], %broadcast_in_dim3A_3 {strides = array<i32>} : memref<32x1024xi32, #tpu.memory_space<vmem>>, vector<16xi32>,
      %swap3A_312 = arith.index_cast %scan3A_21 : i32 to index
      %swap3A_313 = arith.constant 528 : index
      %swap3A_314 = tpu.vector_load %arg5[%swap3A_312, %swap3A_313] {strides = array<i32>} : memref<32x1024xi32, #tpu.memory_space<vmem>>, vector<16xi32>,
      tpu.vector_store %arg5[%swap3A_312, %swap3A_313], %broadcast_in_dim3A_3 {strides = array<i32>} : memref<32x1024xi32, #tpu.memory_space<vmem>>, vector<16xi32>,
      %swap3A_315 = arith.index_cast %scan3A_21 : i32 to index
      %swap3A_316 = arith.constant 544 : index
      %swap3A_317 = tpu.vector_load %arg5[%swap3A_315, %swap3A_316] {strides = array<i32>} : memref<32x1024xi32, #tpu.memory_space<vmem>>, vector<16xi32>,
      tpu.vector_store %arg5[%swap3A_315, %swap3A_316], %broadcast_in_dim3A_3 {strides = array<i32>} : memref<32x1024xi32, #tpu.memory_space<vmem>>, vector<16xi32>,
      %swap3A_318 = arith.index_cast %scan3A_21 : i32 to index
      %swap3A_319 = arith.constant 560 : index
      %swap3A_320 = tpu.vector_load %arg5[%swap3A_318, %swap3A_319] {strides = array<i32>} : memref<32x1024xi32, #tpu.memory_space<vmem>>, vector<16xi32>,
      tpu.vector_store %arg5[%swap3A_318, %swap3A_319], %broadcast_in_dim3A_3 {strides = array<i32>} : memref<32x1024xi32, #tpu.memory_space<vmem>>, vector<16xi32>,
      %swap3A_321 = arith.index_cast %scan3A_21 : i32 to index
      %swap3A_322 = arith.constant 576 : index
      %swap3A_323 = tpu.vector_load %arg5[%swap3A_321, %swap3A_322] {strides = array<i32>} : memref<32x1024xi32, #tpu.memory_space<vmem>>, vector<16xi32>,
      tpu.vector_store %arg5[%swap3A_321, %swap3A_322], %broadcast_in_dim3A_3 {strides = array<i32>} : memref<32x1024xi32, #tpu.memory_space<vmem>>, vector<16xi32>,
      %swap3A_324 = arith.index_cast %scan3A_21 : i32 to index
      %swap3A_325 = arith.constant 592 : index
      %swap3A_326 = tpu.vector_load %arg5[%swap3A_324, %swap3A_325] {strides = array<i32>} : memref<32x1024xi32, #tpu.memory_space<vmem>>, vector<16xi32>,
      tpu.vector_store %arg5[%swap3A_324, %swap3A_325], %broadcast_in_dim3A_3 {strides = array<i32>} : memref<32x1024xi32, #tpu.memory_space<vmem>>, vector<16xi32>,
      %swap3A_327 = arith.index_cast %scan3A_21 : i32 to index
      %swap3A_328 = arith.constant 608 : index
      %swap3A_329 = tpu.vector_load %arg5[%swap3A_327, %swap3A_328] {strides = array<i32>} : memref<32x1024xi32, #tpu.memory_space<vmem>>, vector<16xi32>,
      tpu.vector_store %arg5[%swap3A_327, %swap3A_328], %broadcast_in_dim3A_3 {strides = array<i32>} : memref<32x1024xi32, #tpu.memory_space<vmem>>, vector<16xi32>,
      %swap3A_330 = arith.index_cast %scan3A_21 : i32 to index
      %swap3A_331 = arith.constant 624 : index
      %swap3A_332 = tpu.vector_load %arg5[%swap3A_330, %swap3A_331] {strides = array<i32>} : memref<32x1024xi32, #tpu.memory_space<vmem>>, vector<16xi32>,
      tpu.vector_store %arg5[%swap3A_330, %swap3A_331], %broadcast_in_dim3A_3 {strides = array<i32>} : memref<32x1024xi32, #tpu.memory_space<vmem>>, vector<16xi32>,
      %swap3A_333 = arith.index_cast %scan3A_21 : i32 to index
      %swap3A_334 = arith.constant 640 : index
      %swap3A_335 = tpu.vector_load %arg5[%swap3A_333, %swap3A_334] {strides = array<i32>} : memref<32x1024xi32, #tpu.memory_space<vmem>>, vector<16xi32>,
      tpu.vector_store %arg5[%swap3A_333, %swap3A_334], %broadcast_in_dim3A_3 {strides = array<i32>} : memref<32x1024xi32, #tpu.memory_space<vmem>>, vector<16xi32>,
      %swap3A_336 = arith.index_cast %scan3A_21 : i32 to index
      %swap3A_337 = arith.constant 656 : index
      %swap3A_338 = tpu.vector_load %arg5[%swap3A_336, %swap3A_337] {strides = array<i32>} : memref<32x1024xi32, #tpu.memory_space<vmem>>, vector<16xi32>,
      tpu.vector_store %arg5[%swap3A_336, %swap3A_337], %broadcast_in_dim3A_3 {strides = array<i32>} : memref<32x1024xi32, #tpu.memory_space<vmem>>, vector<16xi32>,
      %swap3A_339 = arith.index_cast %scan3A_21 : i32 to index
      %swap3A_340 = arith.constant 672 : index
      %swap3A_341 = tpu.vector_load %arg5[%swap3A_339, %swap3A_340] {strides = array<i32>} : memref<32x1024xi32, #tpu.memory_space<vmem>>, vector<16xi32>,
      tpu.vector_store %arg5[%swap3A_339, %swap3A_340], %broadcast_in_dim3A_3 {strides = array<i32>} : memref<32x1024xi32, #tpu.memory_space<vmem>>, vector<16xi32>,
      %swap3A_342 = arith.index_cast %scan3A_21 : i32 to index
      %swap3A_343 = arith.constant 688 : index
      %swap3A_344 = tpu.vector_load %arg5[%swap3A_342, %swap3A_343] {strides = array<i32>} : memref<32x1024xi32, #tpu.memory_space<vmem>>, vector<16xi32>,
      tpu.vector_store %arg5[%swap3A_342, %swap3A_343], %broadcast_in_dim3A_3 {strides = array<i32>} : memref<32x1024xi32, #tpu.memory_space<vmem>>, vector<16xi32>,
      %swap3A_345 = arith.index_cast %scan3A_21 : i32 to index
      %swap3A_346 = arith.constant 704 : index
      %swap3A_347 = tpu.vector_load %arg5[%swap3A_345, %swap3A_346] {strides = array<i32>} : memref<32x1024xi32, #tpu.memory_space<vmem>>, vector<16xi32>,
      tpu.vector_store %arg5[%swap3A_345, %swap3A_346], %broadcast_in_dim3A_3 {strides = array<i32>} : memref<32x1024xi32, #tpu.memory_space<vmem>>, vector<16xi32>,
      %swap3A_348 = arith.index_cast %scan3A_21 : i32 to index
      %swap3A_349 = arith.constant 720 : index
      %swap3A_350 = tpu.vector_load %arg5[%swap3A_348, %swap3A_349] {strides = array<i32>} : memref<32x1024xi32, #tpu.memory_space<vmem>>, vector<16xi32>,
      tpu.vector_store %arg5[%swap3A_348, %swap3A_349], %broadcast_in_dim3A_3 {strides = array<i32>} : memref<32x1024xi32, #tpu.memory_space<vmem>>, vector<16xi32>,
      %swap3A_351 = arith.index_cast %scan3A_21 : i32 to index
      %swap3A_352 = arith.constant 736 : index
      %swap3A_353 = tpu.vector_load %arg5[%swap3A_351, %swap3A_352] {strides = array<i32>} : memref<32x1024xi32, #tpu.memory_space<vmem>>, vector<16xi32>,
      tpu.vector_store %arg5[%swap3A_351, %swap3A_352], %broadcast_in_dim3A_3 {strides = array<i32>} : memref<32x1024xi32, #tpu.memory_space<vmem>>, vector<16xi32>,
      %swap3A_354 = arith.index_cast %scan3A_21 : i32 to index
      %swap3A_355 = arith.constant 752 : index
      %swap3A_356 = tpu.vector_load %arg5[%swap3A_354, %swap3A_355] {strides = array<i32>} : memref<32x1024xi32, #tpu.memory_space<vmem>>, vector<16xi32>,
      tpu.vector_store %arg5[%swap3A_354, %swap3A_355], %broadcast_in_dim3A_3 {strides = array<i32>} : memref<32x1024xi32, #tpu.memory_space<vmem>>, vector<16xi32>,
      %swap3A_357 = arith.index_cast %scan3A_21 : i32 to index
      %swap3A_358 = arith.constant 768 : index
      %swap3A_359 = tpu.vector_load %arg5[%swap3A_357, %swap3A_358] {strides = array<i32>} : memref<32x1024xi32, #tpu.memory_space<vmem>>, vector<16xi32>,
      tpu.vector_store %arg5[%swap3A_357, %swap3A_358], %broadcast_in_dim3A_3 {strides = array<i32>} : memref<32x1024xi32, #tpu.memory_space<vmem>>, vector<16xi32>,
      %swap3A_360 = arith.index_cast %scan3A_21 : i32 to index
      %swap3A_361 = arith.constant 784 : index
      %swap3A_362 = tpu.vector_load %arg5[%swap3A_360, %swap3A_361] {strides = array<i32>} : memref<32x1024xi32, #tpu.memory_space<vmem>>, vector<16xi32>,
      tpu.vector_store %arg5[%swap3A_360, %swap3A_361], %broadcast_in_dim3A_3 {strides = array<i32>} : memref<32x1024xi32, #tpu.memory_space<vmem>>, vector<16xi32>,
      %swap3A_363 = arith.index_cast %scan3A_21 : i32 to index
      %swap3A_364 = arith.constant 800 : index
      %swap3A_365 = tpu.vector_load %arg5[%swap3A_363, %swap3A_364] {strides = array<i32>} : memref<32x1024xi32, #tpu.memory_space<vmem>>, vector<16xi32>,
      tpu.vector_store %arg5[%swap3A_363, %swap3A_364], %broadcast_in_dim3A_3 {strides = array<i32>} : memref<32x1024xi32, #tpu.memory_space<vmem>>, vector<16xi32>,
      %swap3A_366 = arith.index_cast %scan3A_21 : i32 to index
      %swap3A_367 = arith.constant 816 : index
      %swap3A_368 = tpu.vector_load %arg5[%swap3A_366, %swap3A_367] {strides = array<i32>} : memref<32x1024xi32, #tpu.memory_space<vmem>>, vector<16xi32>,
      tpu.vector_store %arg5[%swap3A_366, %swap3A_367], %broadcast_in_dim3A_3 {strides = array<i32>} : memref<32x1024xi32, #tpu.memory_space<vmem>>, vector<16xi32>,
      %swap3A_369 = arith.index_cast %scan3A_21 : i32 to index
      %swap3A_370 = arith.constant 832 : index
      %swap3A_371 = tpu.vector_load %arg5[%swap3A_369, %swap3A_370] {strides = array<i32>} : memref<32x1024xi32, #tpu.memory_space<vmem>>, vector<16xi32>,
      tpu.vector_store %arg5[%swap3A_369, %swap3A_370], %broadcast_in_dim3A_3 {strides = array<i32>} : memref<32x1024xi32, #tpu.memory_space<vmem>>, vector<16xi32>,
      %swap3A_372 = arith.index_cast %scan3A_21 : i32 to index
      %swap3A_373 = arith.constant 848 : index
      %swap3A_374 = tpu.vector_load %arg5[%swap3A_372, %swap3A_373] {strides = array<i32>} : memref<32x1024xi32, #tpu.memory_space<vmem>>, vector<16xi32>,
      tpu.vector_store %arg5[%swap3A_372, %swap3A_373], %broadcast_in_dim3A_3 {strides = array<i32>} : memref<32x1024xi32, #tpu.memory_space<vmem>>, vector<16xi32>,
      %swap3A_375 = arith.index_cast %scan3A_21 : i32 to index
      %swap3A_376 = arith.constant 864 : index
      %swap3A_377 = tpu.vector_load %arg5[%swap3A_375, %swap3A_376] {strides = array<i32>} : memref<32x1024xi32, #tpu.memory_space<vmem>>, vector<16xi32>,
      tpu.vector_store %arg5[%swap3A_375, %swap3A_376], %broadcast_in_dim3A_3 {strides = array<i32>} : memref<32x1024xi32, #tpu.memory_space<vmem>>, vector<16xi32>,
      %swap3A_378 = arith.index_cast %scan3A_21 : i32 to index
      %swap3A_379 = arith.constant 880 : index
      %swap3A_380 = tpu.vector_load %arg5[%swap3A_378, %swap3A_379] {strides = array<i32>} : memref<32x1024xi32, #tpu.memory_space<vmem>>, vector<16xi32>,
      tpu.vector_store %arg5[%swap3A_378, %swap3A_379], %broadcast_in_dim3A_3 {strides = array<i32>} : memref<32x1024xi32, #tpu.memory_space<vmem>>, vector<16xi32>,
      %swap3A_381 = arith.index_cast %scan3A_21 : i32 to index
      %swap3A_382 = arith.constant 896 : index
      %swap3A_383 = tpu.vector_load %arg5[%swap3A_381, %swap3A_382] {strides = array<i32>} : memref<32x1024xi32, #tpu.memory_space<vmem>>, vector<16xi32>,
      tpu.vector_store %arg5[%swap3A_381, %swap3A_382], %broadcast_in_dim3A_3 {strides = array<i32>} : memref<32x1024xi32, #tpu.memory_space<vmem>>, vector<16xi32>,
      %swap3A_384 = arith.index_cast %scan3A_21 : i32 to index
      %swap3A_385 = arith.constant 912 : index
      %swap3A_386 = tpu.vector_load %arg5[%swap3A_384, %swap3A_385] {strides = array<i32>} : memref<32x1024xi32, #tpu.memory_space<vmem>>, vector<16xi32>,
      tpu.vector_store %arg5[%swap3A_384, %swap3A_385], %broadcast_in_dim3A_3 {strides = array<i32>} : memref<32x1024xi32, #tpu.memory_space<vmem>>, vector<16xi32>,
      %swap3A_387 = arith.index_cast %scan3A_21 : i32 to index
      %swap3A_388 = arith.constant 928 : index
      %swap3A_389 = tpu.vector_load %arg5[%swap3A_387, %swap3A_388] {strides = array<i32>} : memref<32x1024xi32, #tpu.memory_space<vmem>>, vector<16xi32>,
      tpu.vector_store %arg5[%swap3A_387, %swap3A_388], %broadcast_in_dim3A_3 {strides = array<i32>} : memref<32x1024xi32, #tpu.memory_space<vmem>>, vector<16xi32>,
      %swap3A_390 = arith.index_cast %scan3A_21 : i32 to index
      %swap3A_391 = arith.constant 944 : index
      %swap3A_392 = tpu.vector_load %arg5[%swap3A_390, %swap3A_391] {strides = array<i32>} : memref<32x1024xi32, #tpu.memory_space<vmem>>, vector<16xi32>,
      tpu.vector_store %arg5[%swap3A_390, %swap3A_391], %broadcast_in_dim3A_3 {strides = array<i32>} : memref<32x1024xi32, #tpu.memory_space<vmem>>, vector<16xi32>,
      %swap3A_393 = arith.index_cast %scan3A_21 : i32 to index
      %swap3A_394 = arith.constant 960 : index
      %swap3A_395 = tpu.vector_load %arg5[%swap3A_393, %swap3A_394] {strides = array<i32>} : memref<32x1024xi32, #tpu.memory_space<vmem>>, vector<16xi32>,
      tpu.vector_store %arg5[%swap3A_393, %swap3A_394], %broadcast_in_dim3A_3 {strides = array<i32>} : memref<32x1024xi32, #tpu.memory_space<vmem>>, vector<16xi32>,
      %swap3A_396 = arith.index_cast %scan3A_21 : i32 to index
      %swap3A_397 = arith.constant 976 : index
      %swap3A_398 = tpu.vector_load %arg5[%swap3A_396, %swap3A_397] {strides = array<i32>} : memref<32x1024xi32, #tpu.memory_space<vmem>>, vector<16xi32>,
      tpu.vector_store %arg5[%swap3A_396, %swap3A_397], %broadcast_in_dim3A_3 {strides = array<i32>} : memref<32x1024xi32, #tpu.memory_space<vmem>>, vector<16xi32>,
      %swap3A_399 = arith.index_cast %scan3A_21 : i32 to index
      %swap3A_400 = arith.constant 992 : index
      %swap3A_401 = tpu.vector_load %arg5[%swap3A_399, %swap3A_400] {strides = array<i32>} : memref<32x1024xi32, #tpu.memory_space<vmem>>, vector<16xi32>,
      tpu.vector_store %arg5[%swap3A_399, %swap3A_400], %broadcast_in_dim3A_3 {strides = array<i32>} : memref<32x1024xi32, #tpu.memory_space<vmem>>, vector<16xi32>,
      %swap3A_402 = arith.index_cast %scan3A_21 : i32 to index
      %swap3A_403 = arith.constant 1008 : index
      %swap3A_404 = tpu.vector_load %arg5[%swap3A_402, %swap3A_403] {strides = array<i32>} : memref<32x1024xi32, #tpu.memory_space<vmem>>, vector<16xi32>,
      tpu.vector_store %arg5[%swap3A_402, %swap3A_403], %broadcast_in_dim3A_3 {strides = array<i32>} : memref<32x1024xi32, #tpu.memory_space<vmem>>, vector<16xi32>,
    }
    %scan3A_10 = arith.constant 32 : i32
    tpu.wait_dma2 semaphore(%arg7 : memref<!tpu.dma_semaphore, #tpu.memory_space<semaphore_mem>>) src(%arg2 : memref<16384xi32, #tpu.memory_space<hbm>>) dst(%arg6 : memref<16384xi32, #tpu.memory_space<vmem>>)
    %lt3A = arith.constant 31 : i32
    %lt3A_11 = arith.cmpi slt, %add3A, %lt3A : i32
    %convert_element_type3A = arith.extui %lt3A_11 : i1 to i32
    %cond3A = arith.constant 31 : i32
    %cond3A_12 = arith.constant 32 : i32
    %cond3A_13 = arith.constant 0 : i32
    %cond3A_14 = arith.cmpi ne, %convert_element_type3A, %cond3A_13 : i32
    scf.if %cond3A_14 {
      %scan3A_21 = arith.constant 0 : i32
      %scan3A_22 = arith.constant 0 : i32
      %scan3A_23 = arith.constant 8 : i32
      %scan3A_24 = arith.addi %scan3A_22, %scan3A_23 : i32
      %scan3A_25 = arith.constant 1 : i32
      scf.for %scan3A_33 = %scan3A_22 to %scan3A_24 step %scan3A_25  : i32 {
        %mul3A_34 = arith.constant 2 : i32
        %mul3A_35 = arith.muli %scan3A_33, %mul3A_34 : i32
        %add3A_36 = arith.constant 0 : i32
        %add3A_37 = arith.addi %mul3A_35, %add3A_36 : i32
        %mul3A_38 = arith.constant 1024 : i32
        %mul3A_39 = arith.muli %add3A_37, %mul3A_38 : i32
        %gt3A = arith.constant 0 : i32
        %gt3A_40 = arith.cmpi sgt, %scan3A_33, %gt3A : i32
        %convert_element_type3A_41 = arith.extui %gt3A_40 : i1 to i32
        %cond3A_42 = arith.constant 0 : i32
        %cond3A_43 = arith.cmpi ne, %convert_element_type3A_41, %cond3A_42 : i32
        scf.if %cond3A_43 {
          %sub3A = arith.constant 2 : i32
          %sub3A_72 = arith.subi %add3A_37, %sub3A : i32
          %mul3A_73 = arith.constant 1024 : i32
          %mul3A_74 = arith.muli %sub3A_72, %mul3A_73 : i32
          %multiple_of3A_75 = tpu.assume_multiple %mul3A_74, 1024 : i32
          %dma_wait3A_76 = tpu.memref_slice %arg3[%mul3A_2, %multiple_of3A_75] : memref<1000x16384xi32, #tpu.memory_space<hbm>> -> memref<32x1024xi32, #tpu.memory_space<hbm>>
          %dma_wait3A_77 = tpu.memref_slice %arg3[%mul3A_2, %multiple_of3A_75] : memref<1000x16384xi32, #tpu.memory_space<hbm>> -> memref<32x1024xi32, #tpu.memory_space<hbm>>
          tpu.wait_dma2 semaphore(%arg8 : memref<!tpu.dma_semaphore, #tpu.memory_space<semaphore_mem>>) src(%arg4 : memref<32x1024xi32, #tpu.memory_space<vmem>>) dst(%dma_wait3A_77 : memref<32x1024xi32, #tpu.memory_space<hbm>>)
          %scan3A_78 = arith.constant 0 : i32
          %scan3A_79 = arith.constant 0 : i32
          %scan3A_80 = arith.constant 16 : i32
          %scan3A_81 = arith.addi %scan3A_79, %scan3A_80 : i32
          %scan3A_82 = arith.constant 1 : i32
          scf.for %scan3A_84 = %scan3A_79 to %scan3A_81 step %scan3A_82  : i32 {
            %mul3A_85 = arith.constant 64 : i32
            %mul3A_86 = arith.muli %scan3A_84, %mul3A_85 : i32
            %add3A_87 = arith.constant 0 : i32
            %add3A_88 = arith.addi %mul3A_86, %add3A_87 : i32
            %add3A_89 = arith.addi %mul3A_74, %add3A_88 : i32
            %get3A = arith.index_cast %add3A_89 : i32 to index
            %get3A_90 = tpu.vector_load %arg6[%get3A] {strides = array<i32>} : memref<16384xi32, #tpu.memory_space<vmem>>, vector<16xi32>,
            %sub3A_91 = vector.broadcast %mul3A_2 : i32 to vector<16xi32>
            %sub3A_92 = arith.subi %get3A_90, %sub3A_91 : vector<16xi32>
            %and3A = vector.broadcast %cond3A : i32 to vector<16xi32>
            %and3A_93 = arith.andi %sub3A_92, %and3A : vector<16xi32>
            %add3A_94 = vector.broadcast %add3A_88 : i32 to vector<16xi32>
            %add3A_95 = arith.addi %iota3A, %add3A_94 : vector<16xi32>
            tpu.vector_store_idx %arg4[%and3A_93, %add3A_95], %broadcast_in_dim3A_3 : memref<32x1024xi32, #tpu.memory_space<vmem>>[vector<16xi32>, vector<16xi32>], vector<16xi32>,
            %mul3A_96 = arith.constant 64 : i32
            %mul3A_97 = arith.muli %scan3A_84, %mul3A_96 : i32
            %add3A_98 = arith.constant 16 : i32
            %add3A_99 = arith.addi %mul3A_97, %add3A_98 : i32
            %add3A_100 = arith.addi %mul3A_74, %add3A_99 : i32
            %get3A_101 = arith.index_cast %add3A_100 : i32 to index
            %get3A_102 = tpu.vector_load %arg6[%get3A_101] {strides = array<i32>} : memref<16384xi32, #tpu.memory_space<vmem>>, vector<16xi32>,
            %sub3A_103 = vector.broadcast %mul3A_2 : i32 to vector<16xi32>
            %sub3A_104 = arith.subi %get3A_102, %sub3A_103 : vector<16xi32>
            %and3A_105 = vector.broadcast %cond3A : i32 to vector<16xi32>
            %and3A_106 = arith.andi %sub3A_104, %and3A_105 : vector<16xi32>
            %add3A_107 = vector.broadcast %add3A_99 : i32 to vector<16xi32>
            %add3A_108 = arith.addi %iota3A, %add3A_107 : vector<16xi32>
            tpu.vector_store_idx %arg4[%and3A_106, %add3A_108], %broadcast_in_dim3A_3 : memref<32x1024xi32, #tpu.memory_space<vmem>>[vector<16xi32>, vector<16xi32>], vector<16xi32>,
            %mul3A_109 = arith.constant 64 : i32
            %mul3A_110 = arith.muli %scan3A_84, %mul3A_109 : i32
            %add3A_111 = arith.constant 32 : i32
            %add3A_112 = arith.addi %mul3A_110, %add3A_111 : i32
            %add3A_113 = arith.addi %mul3A_74, %add3A_112 : i32
            %get3A_114 = arith.index_cast %add3A_113 : i32 to index
            %get3A_115 = tpu.vector_load %arg6[%get3A_114] {strides = array<i32>} : memref<16384xi32, #tpu.memory_space<vmem>>, vector<16xi32>,
            %sub3A_116 = vector.broadcast %mul3A_2 : i32 to vector<16xi32>
            %sub3A_117 = arith.subi %get3A_115, %sub3A_116 : vector<16xi32>
            %and3A_118 = vector.broadcast %cond3A : i32 to vector<16xi32>
            %and3A_119 = arith.andi %sub3A_117, %and3A_118 : vector<16xi32>
            %add3A_120 = vector.broadcast %add3A_112 : i32 to vector<16xi32>
            %add3A_121 = arith.addi %iota3A, %add3A_120 : vector<16xi32>
            tpu.vector_store_idx %arg4[%and3A_119, %add3A_121], %broadcast_in_dim3A_3 : memref<32x1024xi32, #tpu.memory_space<vmem>>[vector<16xi32>, vector<16xi32>], vector<16xi32>,
            %mul3A_122 = arith.constant 64 : i32
            %mul3A_123 = arith.muli %scan3A_84, %mul3A_122 : i32
            %add3A_124 = arith.constant 48 : i32
            %add3A_125 = arith.addi %mul3A_123, %add3A_124 : i32
            %add3A_126 = arith.addi %mul3A_74, %add3A_125 : i32
            %get3A_127 = arith.index_cast %add3A_126 : i32 to index
            %get3A_128 = tpu.vector_load %arg6[%get3A_127] {strides = array<i32>} : memref<16384xi32, #tpu.memory_space<vmem>>, vector<16xi32>,
            %sub3A_129 = vector.broadcast %mul3A_2 : i32 to vector<16xi32>
            %sub3A_130 = arith.subi %get3A_128, %sub3A_129 : vector<16xi32>
            %and3A_131 = vector.broadcast %cond3A : i32 to vector<16xi32>
            %and3A_132 = arith.andi %sub3A_130, %and3A_131 : vector<16xi32>
            %add3A_133 = vector.broadcast %add3A_125 : i32 to vector<16xi32>
            %add3A_134 = arith.addi %iota3A, %add3A_133 : vector<16xi32>
            tpu.vector_store_idx %arg4[%and3A_132, %add3A_134], %broadcast_in_dim3A_3 : memref<32x1024xi32, #tpu.memory_space<vmem>>[vector<16xi32>, vector<16xi32>], vector<16xi32>,
          }
          %scan3A_83 = arith.constant 16 : i32
        } else {
        }
        %scan3A_44 = arith.constant 0 : i32
        %scan3A_45 = arith.constant 0 : i32
        %scan3A_46 = arith.constant 16 : i32
        %scan3A_47 = arith.addi %scan3A_45, %scan3A_46 : i32
        %scan3A_48 = arith.constant 1 : i32
        scf.for %scan3A_72 = %scan3A_45 to %scan3A_47 step %scan3A_48  : i32 {
          %mul3A_73 = arith.constant 64 : i32
          %mul3A_74 = arith.muli %scan3A_72, %mul3A_73 : i32
          %add3A_75 = arith.constant 0 : i32
          %add3A_76 = arith.addi %mul3A_74, %add3A_75 : i32
          %add3A_77 = arith.addi %mul3A_39, %add3A_76 : i32
          %get3A = arith.index_cast %add3A_77 : i32 to index
          %get3A_78 = tpu.vector_load %arg6[%get3A] {strides = array<i32>} : memref<16384xi32, #tpu.memory_space<vmem>>, vector<16xi32>,
          %sub3A = vector.broadcast %mul3A_2 : i32 to vector<16xi32>
          %sub3A_79 = arith.subi %get3A_78, %sub3A : vector<16xi32>
          %bitcast3A = vector.bitcast %sub3A_79 : vector<16xi32> to vector<16xi32>
          %lt3A_80 = vector.broadcast %cond3A_12 : i32 to vector<16xi32>
          %lt3A_81 = arith.cmpi ult, %bitcast3A, %lt3A_80 : vector<16xi32>
          %add3A_82 = vector.broadcast %add3A_76 : i32 to vector<16xi32>
          %add3A_83 = arith.addi %iota3A, %add3A_82 : vector<16xi32>
          tpu.vector_store_idx %arg4[%sub3A_79, %add3A_83], %broadcast_in_dim3A_5 masked %lt3A_81 : memref<32x1024xi32, #tpu.memory_space<vmem>>[vector<16xi32>, vector<16xi32>], vector<16xi32>, vector<16xi1>
          %mul3A_84 = arith.constant 64 : i32
          %mul3A_85 = arith.muli %scan3A_72, %mul3A_84 : i32
          %add3A_86 = arith.constant 16 : i32
          %add3A_87 = arith.addi %mul3A_85, %add3A_86 : i32
          %add3A_88 = arith.addi %mul3A_39, %add3A_87 : i32
          %get3A_89 = arith.index_cast %add3A_88 : i32 to index
          %get3A_90 = tpu.vector_load %arg6[%get3A_89] {strides = array<i32>} : memref<16384xi32, #tpu.memory_space<vmem>>, vector<16xi32>,
          %sub3A_91 = vector.broadcast %mul3A_2 : i32 to vector<16xi32>
          %sub3A_92 = arith.subi %get3A_90, %sub3A_91 : vector<16xi32>
          %bitcast3A_93 = vector.bitcast %sub3A_92 : vector<16xi32> to vector<16xi32>
          %lt3A_94 = vector.broadcast %cond3A_12 : i32 to vector<16xi32>
          %lt3A_95 = arith.cmpi ult, %bitcast3A_93, %lt3A_94 : vector<16xi32>
          %add3A_96 = vector.broadcast %add3A_87 : i32 to vector<16xi32>
          %add3A_97 = arith.addi %iota3A, %add3A_96 : vector<16xi32>
          tpu.vector_store_idx %arg4[%sub3A_92, %add3A_97], %broadcast_in_dim3A_5 masked %lt3A_95 : memref<32x1024xi32, #tpu.memory_space<vmem>>[vector<16xi32>, vector<16xi32>], vector<16xi32>, vector<16xi1>
          %mul3A_98 = arith.constant 64 : i32
          %mul3A_99 = arith.muli %scan3A_72, %mul3A_98 : i32
          %add3A_100 = arith.constant 32 : i32
          %add3A_101 = arith.addi %mul3A_99, %add3A_100 : i32
          %add3A_102 = arith.addi %mul3A_39, %add3A_101 : i32
          %get3A_103 = arith.index_cast %add3A_102 : i32 to index
          %get3A_104 = tpu.vector_load %arg6[%get3A_103] {strides = array<i32>} : memref<16384xi32, #tpu.memory_space<vmem>>, vector<16xi32>,
          %sub3A_105 = vector.broadcast %mul3A_2 : i32 to vector<16xi32>
          %sub3A_106 = arith.subi %get3A_104, %sub3A_105 : vector<16xi32>
          %bitcast3A_107 = vector.bitcast %sub3A_106 : vector<16xi32> to vector<16xi32>
          %lt3A_108 = vector.broadcast %cond3A_12 : i32 to vector<16xi32>
          %lt3A_109 = arith.cmpi ult, %bitcast3A_107, %lt3A_108 : vector<16xi32>
          %add3A_110 = vector.broadcast %add3A_101 : i32 to vector<16xi32>
          %add3A_111 = arith.addi %iota3A, %add3A_110 : vector<16xi32>
          tpu.vector_store_idx %arg4[%sub3A_106, %add3A_111], %broadcast_in_dim3A_5 masked %lt3A_109 : memref<32x1024xi32, #tpu.memory_space<vmem>>[vector<16xi32>, vector<16xi32>], vector<16xi32>, vector<16xi1>
          %mul3A_112 = arith.constant 64 : i32
          %mul3A_113 = arith.muli %scan3A_72, %mul3A_112 : i32
          %add3A_114 = arith.constant 48 : i32
          %add3A_115 = arith.addi %mul3A_113, %add3A_114 : i32
          %add3A_116 = arith.addi %mul3A_39, %add3A_115 : i32
          %get3A_117 = arith.index_cast %add3A_116 : i32 to index
          %get3A_118 = tpu.vector_load %arg6[%get3A_117] {strides = array<i32>} : memref<16384xi32, #tpu.memory_space<vmem>>, vector<16xi32>,
          %sub3A_119 = vector.broadcast %mul3A_2 : i32 to vector<16xi32>
          %sub3A_120 = arith.subi %get3A_118, %sub3A_119 : vector<16xi32>
          %bitcast3A_121 = vector.bitcast %sub3A_120 : vector<16xi32> to vector<16xi32>
          %lt3A_122 = vector.broadcast %cond3A_12 : i32 to vector<16xi32>
          %lt3A_123 = arith.cmpi ult, %bitcast3A_121, %lt3A_122 : vector<16xi32>
          %add3A_124 = vector.broadcast %add3A_115 : i32 to vector<16xi32>
          %add3A_125 = arith.addi %iota3A, %add3A_124 : vector<16xi32>
          tpu.vector_store_idx %arg4[%sub3A_120, %add3A_125], %broadcast_in_dim3A_5 masked %lt3A_123 : memref<32x1024xi32, #tpu.memory_space<vmem>>[vector<16xi32>, vector<16xi32>], vector<16xi32>, vector<16xi1>
        }
        %scan3A_49 = arith.constant 16 : i32
        %multiple_of3A_50 = tpu.assume_multiple %mul3A_39, 1024 : i32
        %dma_start3A = tpu.memref_slice %arg3[%mul3A_2, %multiple_of3A_50] : memref<1000x16384xi32, #tpu.memory_space<hbm>> -> memref<32x1024xi32, #tpu.memory_space<hbm>>
        %dma_start3A_51 = tpu.memref_slice %arg3[%mul3A_2, %multiple_of3A_50] : memref<1000x16384xi32, #tpu.memory_space<hbm>> -> memref<32x1024xi32, #tpu.memory_space<hbm>>
        tpu.enqueue_dma source(%arg4 : memref<32x1024xi32, #tpu.memory_space<vmem>>) target(%dma_start3A_51 : memref<32x1024xi32, #tpu.memory_space<hbm>>) target_semaphore(%arg8 : memref<!tpu.dma_semaphore, #tpu.memory_space<semaphore_mem>>)
        %mul3A_52 = arith.constant 2 : i32
        %mul3A_53 = arith.muli %scan3A_33, %mul3A_52 : i32
        %add3A_54 = arith.constant 1 : i32
        %add3A_55 = arith.addi %mul3A_53, %add3A_54 : i32
        %mul3A_56 = arith.constant 1024 : i32
        %mul3A_57 = arith.muli %add3A_55, %mul3A_56 : i32
        %gt3A_58 = arith.constant 0 : i32
        %gt3A_59 = arith.cmpi sgt, %scan3A_33, %gt3A_58 : i32
        %convert_element_type3A_60 = arith.extui %gt3A_59 : i1 to i32
        %cond3A_61 = arith.constant 0 : i32
        %cond3A_62 = arith.cmpi ne, %convert_element_type3A_60, %cond3A_61 : i32
        scf.if %cond3A_62 {
          %sub3A = arith.constant 2 : i32
          %sub3A_72 = arith.subi %add3A_55, %sub3A : i32
          %mul3A_73 = arith.constant 1024 : i32
          %mul3A_74 = arith.muli %sub3A_72, %mul3A_73 : i32
          %multiple_of3A_75 = tpu.assume_multiple %mul3A_74, 1024 : i32
          %dma_wait3A_76 = tpu.memref_slice %arg3[%mul3A_2, %multiple_of3A_75] : memref<1000x16384xi32, #tpu.memory_space<hbm>> -> memref<32x1024xi32, #tpu.memory_space<hbm>>
          %dma_wait3A_77 = tpu.memref_slice %arg3[%mul3A_2, %multiple_of3A_75] : memref<1000x16384xi32, #tpu.memory_space<hbm>> -> memref<32x1024xi32, #tpu.memory_space<hbm>>
          tpu.wait_dma2 semaphore(%arg9 : memref<!tpu.dma_semaphore, #tpu.memory_space<semaphore_mem>>) src(%arg5 : memref<32x1024xi32, #tpu.memory_space<vmem>>) dst(%dma_wait3A_77 : memref<32x1024xi32, #tpu.memory_space<hbm>>)
          %scan3A_78 = arith.constant 0 : i32
          %scan3A_79 = arith.constant 0 : i32
          %scan3A_80 = arith.constant 16 : i32
          %scan3A_81 = arith.addi %scan3A_79, %scan3A_80 : i32
          %scan3A_82 = arith.constant 1 : i32
          scf.for %scan3A_84 = %scan3A_79 to %scan3A_81 step %scan3A_82  : i32 {
            %mul3A_85 = arith.constant 64 : i32
            %mul3A_86 = arith.muli %scan3A_84, %mul3A_85 : i32
            %add3A_87 = arith.constant 0 : i32
            %add3A_88 = arith.addi %mul3A_86, %add3A_87 : i32
            %add3A_89 = arith.addi %mul3A_74, %add3A_88 : i32
            %get3A = arith.index_cast %add3A_89 : i32 to index
            %get3A_90 = tpu.vector_load %arg6[%get3A] {strides = array<i32>} : memref<16384xi32, #tpu.memory_space<vmem>>, vector<16xi32>,
            %sub3A_91 = vector.broadcast %mul3A_2 : i32 to vector<16xi32>
            %sub3A_92 = arith.subi %get3A_90, %sub3A_91 : vector<16xi32>
            %and3A = vector.broadcast %cond3A : i32 to vector<16xi32>
            %and3A_93 = arith.andi %sub3A_92, %and3A : vector<16xi32>
            %add3A_94 = vector.broadcast %add3A_88 : i32 to vector<16xi32>
            %add3A_95 = arith.addi %iota3A, %add3A_94 : vector<16xi32>
            tpu.vector_store_idx %arg5[%and3A_93, %add3A_95], %broadcast_in_dim3A_3 : memref<32x1024xi32, #tpu.memory_space<vmem>>[vector<16xi32>, vector<16xi32>], vector<16xi32>,
            %mul3A_96 = arith.constant 64 : i32
            %mul3A_97 = arith.muli %scan3A_84, %mul3A_96 : i32
            %add3A_98 = arith.constant 16 : i32
            %add3A_99 = arith.addi %mul3A_97, %add3A_98 : i32
            %add3A_100 = arith.addi %mul3A_74, %add3A_99 : i32
            %get3A_101 = arith.index_cast %add3A_100 : i32 to index
            %get3A_102 = tpu.vector_load %arg6[%get3A_101] {strides = array<i32>} : memref<16384xi32, #tpu.memory_space<vmem>>, vector<16xi32>,
            %sub3A_103 = vector.broadcast %mul3A_2 : i32 to vector<16xi32>
            %sub3A_104 = arith.subi %get3A_102, %sub3A_103 : vector<16xi32>
            %and3A_105 = vector.broadcast %cond3A : i32 to vector<16xi32>
            %and3A_106 = arith.andi %sub3A_104, %and3A_105 : vector<16xi32>
            %add3A_107 = vector.broadcast %add3A_99 : i32 to vector<16xi32>
            %add3A_108 = arith.addi %iota3A, %add3A_107 : vector<16xi32>
            tpu.vector_store_idx %arg5[%and3A_106, %add3A_108], %broadcast_in_dim3A_3 : memref<32x1024xi32, #tpu.memory_space<vmem>>[vector<16xi32>, vector<16xi32>], vector<16xi32>,
            %mul3A_109 = arith.constant 64 : i32
            %mul3A_110 = arith.muli %scan3A_84, %mul3A_109 : i32
            %add3A_111 = arith.constant 32 : i32
            %add3A_112 = arith.addi %mul3A_110, %add3A_111 : i32
            %add3A_113 = arith.addi %mul3A_74, %add3A_112 : i32
            %get3A_114 = arith.index_cast %add3A_113 : i32 to index
            %get3A_115 = tpu.vector_load %arg6[%get3A_114] {strides = array<i32>} : memref<16384xi32, #tpu.memory_space<vmem>>, vector<16xi32>,
            %sub3A_116 = vector.broadcast %mul3A_2 : i32 to vector<16xi32>
            %sub3A_117 = arith.subi %get3A_115, %sub3A_116 : vector<16xi32>
            %and3A_118 = vector.broadcast %cond3A : i32 to vector<16xi32>
            %and3A_119 = arith.andi %sub3A_117, %and3A_118 : vector<16xi32>
            %add3A_120 = vector.broadcast %add3A_112 : i32 to vector<16xi32>
            %add3A_121 = arith.addi %iota3A, %add3A_120 : vector<16xi32>
            tpu.vector_store_idx %arg5[%and3A_119, %add3A_121], %broadcast_in_dim3A_3 : memref<32x1024xi32, #tpu.memory_space<vmem>>[vector<16xi32>, vector<16xi32>], vector<16xi32>,
            %mul3A_122 = arith.constant 64 : i32
            %mul3A_123 = arith.muli %scan3A_84, %mul3A_122 : i32
            %add3A_124 = arith.constant 48 : i32
            %add3A_125 = arith.addi %mul3A_123, %add3A_124 : i32
            %add3A_126 = arith.addi %mul3A_74, %add3A_125 : i32
            %get3A_127 = arith.index_cast %add3A_126 : i32 to index
            %get3A_128 = tpu.vector_load %arg6[%get3A_127] {strides = array<i32>} : memref<16384xi32, #tpu.memory_space<vmem>>, vector<16xi32>,
            %sub3A_129 = vector.broadcast %mul3A_2 : i32 to vector<16xi32>
            %sub3A_130 = arith.subi %get3A_128, %sub3A_129 : vector<16xi32>
            %and3A_131 = vector.broadcast %cond3A : i32 to vector<16xi32>
            %and3A_132 = arith.andi %sub3A_130, %and3A_131 : vector<16xi32>
            %add3A_133 = vector.broadcast %add3A_125 : i32 to vector<16xi32>
            %add3A_134 = arith.addi %iota3A, %add3A_133 : vector<16xi32>
            tpu.vector_store_idx %arg5[%and3A_132, %add3A_134], %broadcast_in_dim3A_3 : memref<32x1024xi32, #tpu.memory_space<vmem>>[vector<16xi32>, vector<16xi32>], vector<16xi32>,
          }
          %scan3A_83 = arith.constant 16 : i32
        } else {
        }
        %scan3A_63 = arith.constant 0 : i32
        %scan3A_64 = arith.constant 0 : i32
        %scan3A_65 = arith.constant 16 : i32
        %scan3A_66 = arith.addi %scan3A_64, %scan3A_65 : i32
        %scan3A_67 = arith.constant 1 : i32
        scf.for %scan3A_72 = %scan3A_64 to %scan3A_66 step %scan3A_67  : i32 {
          %mul3A_73 = arith.constant 64 : i32
          %mul3A_74 = arith.muli %scan3A_72, %mul3A_73 : i32
          %add3A_75 = arith.constant 0 : i32
          %add3A_76 = arith.addi %mul3A_74, %add3A_75 : i32
          %add3A_77 = arith.addi %mul3A_57, %add3A_76 : i32
          %get3A = arith.index_cast %add3A_77 : i32 to index
          %get3A_78 = tpu.vector_load %arg6[%get3A] {strides = array<i32>} : memref<16384xi32, #tpu.memory_space<vmem>>, vector<16xi32>,
          %sub3A = vector.broadcast %mul3A_2 : i32 to vector<16xi32>
          %sub3A_79 = arith.subi %get3A_78, %sub3A : vector<16xi32>
          %bitcast3A = vector.bitcast %sub3A_79 : vector<16xi32> to vector<16xi32>
          %lt3A_80 = vector.broadcast %cond3A_12 : i32 to vector<16xi32>
          %lt3A_81 = arith.cmpi ult, %bitcast3A, %lt3A_80 : vector<16xi32>
          %add3A_82 = vector.broadcast %add3A_76 : i32 to vector<16xi32>
          %add3A_83 = arith.addi %iota3A, %add3A_82 : vector<16xi32>
          tpu.vector_store_idx %arg5[%sub3A_79, %add3A_83], %broadcast_in_dim3A_5 masked %lt3A_81 : memref<32x1024xi32, #tpu.memory_space<vmem>>[vector<16xi32>, vector<16xi32>], vector<16xi32>, vector<16xi1>
          %mul3A_84 = arith.constant 64 : i32
          %mul3A_85 = arith.muli %scan3A_72, %mul3A_84 : i32
          %add3A_86 = arith.constant 16 : i32
          %add3A_87 = arith.addi %mul3A_85, %add3A_86 : i32
          %add3A_88 = arith.addi %mul3A_57, %add3A_87 : i32
          %get3A_89 = arith.index_cast %add3A_88 : i32 to index
          %get3A_90 = tpu.vector_load %arg6[%get3A_89] {strides = array<i32>} : memref<16384xi32, #tpu.memory_space<vmem>>, vector<16xi32>,
          %sub3A_91 = vector.broadcast %mul3A_2 : i32 to vector<16xi32>
          %sub3A_92 = arith.subi %get3A_90, %sub3A_91 : vector<16xi32>
          %bitcast3A_93 = vector.bitcast %sub3A_92 : vector<16xi32> to vector<16xi32>
          %lt3A_94 = vector.broadcast %cond3A_12 : i32 to vector<16xi32>
          %lt3A_95 = arith.cmpi ult, %bitcast3A_93, %lt3A_94 : vector<16xi32>
          %add3A_96 = vector.broadcast %add3A_87 : i32 to vector<16xi32>
          %add3A_97 = arith.addi %iota3A, %add3A_96 : vector<16xi32>
          tpu.vector_store_idx %arg5[%sub3A_92, %add3A_97], %broadcast_in_dim3A_5 masked %lt3A_95 : memref<32x1024xi32, #tpu.memory_space<vmem>>[vector<16xi32>, vector<16xi32>], vector<16xi32>, vector<16xi1>
          %mul3A_98 = arith.constant 64 : i32
          %mul3A_99 = arith.muli %scan3A_72, %mul3A_98 : i32
          %add3A_100 = arith.constant 32 : i32
          %add3A_101 = arith.addi %mul3A_99, %add3A_100 : i32
          %add3A_102 = arith.addi %mul3A_57, %add3A_101 : i32
          %get3A_103 = arith.index_cast %add3A_102 : i32 to index
          %get3A_104 = tpu.vector_load %arg6[%get3A_103] {strides = array<i32>} : memref<16384xi32, #tpu.memory_space<vmem>>, vector<16xi32>,
          %sub3A_105 = vector.broadcast %mul3A_2 : i32 to vector<16xi32>
          %sub3A_106 = arith.subi %get3A_104, %sub3A_105 : vector<16xi32>
          %bitcast3A_107 = vector.bitcast %sub3A_106 : vector<16xi32> to vector<16xi32>
          %lt3A_108 = vector.broadcast %cond3A_12 : i32 to vector<16xi32>
          %lt3A_109 = arith.cmpi ult, %bitcast3A_107, %lt3A_108 : vector<16xi32>
          %add3A_110 = vector.broadcast %add3A_101 : i32 to vector<16xi32>
          %add3A_111 = arith.addi %iota3A, %add3A_110 : vector<16xi32>
          tpu.vector_store_idx %arg5[%sub3A_106, %add3A_111], %broadcast_in_dim3A_5 masked %lt3A_109 : memref<32x1024xi32, #tpu.memory_space<vmem>>[vector<16xi32>, vector<16xi32>], vector<16xi32>, vector<16xi1>
          %mul3A_112 = arith.constant 64 : i32
          %mul3A_113 = arith.muli %scan3A_72, %mul3A_112 : i32
          %add3A_114 = arith.constant 48 : i32
          %add3A_115 = arith.addi %mul3A_113, %add3A_114 : i32
          %add3A_116 = arith.addi %mul3A_57, %add3A_115 : i32
          %get3A_117 = arith.index_cast %add3A_116 : i32 to index
          %get3A_118 = tpu.vector_load %arg6[%get3A_117] {strides = array<i32>} : memref<16384xi32, #tpu.memory_space<vmem>>, vector<16xi32>,
          %sub3A_119 = vector.broadcast %mul3A_2 : i32 to vector<16xi32>
          %sub3A_120 = arith.subi %get3A_118, %sub3A_119 : vector<16xi32>
          %bitcast3A_121 = vector.bitcast %sub3A_120 : vector<16xi32> to vector<16xi32>
          %lt3A_122 = vector.broadcast %cond3A_12 : i32 to vector<16xi32>
          %lt3A_123 = arith.cmpi ult, %bitcast3A_121, %lt3A_122 : vector<16xi32>
          %add3A_124 = vector.broadcast %add3A_115 : i32 to vector<16xi32>
          %add3A_125 = arith.addi %iota3A, %add3A_124 : vector<16xi32>
          tpu.vector_store_idx %arg5[%sub3A_120, %add3A_125], %broadcast_in_dim3A_5 masked %lt3A_123 : memref<32x1024xi32, #tpu.memory_space<vmem>>[vector<16xi32>, vector<16xi32>], vector<16xi32>, vector<16xi1>
        }
        %scan3A_68 = arith.constant 16 : i32
        %multiple_of3A_69 = tpu.assume_multiple %mul3A_57, 1024 : i32
        %dma_start3A_70 = tpu.memref_slice %arg3[%mul3A_2, %multiple_of3A_69] : memref<1000x16384xi32, #tpu.memory_space<hbm>> -> memref<32x1024xi32, #tpu.memory_space<hbm>>
        %dma_start3A_71 = tpu.memref_slice %arg3[%mul3A_2, %multiple_of3A_69] : memref<1000x16384xi32, #tpu.memory_space<hbm>> -> memref<32x1024xi32, #tpu.memory_space<hbm>>
        tpu.enqueue_dma source(%arg5 : memref<32x1024xi32, #tpu.memory_space<vmem>>) target(%dma_start3A_71 : memref<32x1024xi32, #tpu.memory_space<hbm>>) target_semaphore(%arg9 : memref<!tpu.dma_semaphore, #tpu.memory_space<semaphore_mem>>)
      }
      %scan3A_26 = arith.constant 8 : i32
      %multiple_of3A = arith.constant 14336 : i32
      %multiple_of3A_27 = tpu.assume_multiple %multiple_of3A, 1024 : i32
      %dma_wait3A = tpu.memref_slice %arg3[%mul3A_2, %multiple_of3A_27] : memref<1000x16384xi32, #tpu.memory_space<hbm>> -> memref<32x1024xi32, #tpu.memory_space<hbm>>
      %dma_wait3A_28 = tpu.memref_slice %arg3[%mul3A_2, %multiple_of3A_27] : memref<1000x16384xi32, #tpu.memory_space<hbm>> -> memref<32x1024xi32, #tpu.memory_space<hbm>>
      tpu.wait_dma2 semaphore(%arg8 : memref<!tpu.dma_semaphore, #tpu.memory_space<semaphore_mem>>) src(%arg4 : memref<32x1024xi32, #tpu.memory_space<vmem>>) dst(%dma_wait3A_28 : memref<32x1024xi32, #tpu.memory_space<hbm>>)
      %multiple_of3A_29 = arith.constant 15360 : i32
      %multiple_of3A_30 = tpu.assume_multiple %multiple_of3A_29, 1024 : i32
      %dma_wait3A_31 = tpu.memref_slice %arg3[%mul3A_2, %multiple_of3A_30] : memref<1000x16384xi32, #tpu.memory_space<hbm>> -> memref<32x1024xi32, #tpu.memory_space<hbm>>
      %dma_wait3A_32 = tpu.memref_slice %arg3[%mul3A_2, %multiple_of3A_30] : memref<1000x16384xi32, #tpu.memory_space<hbm>> -> memref<32x1024xi32, #tpu.memory_space<hbm>>
      tpu.wait_dma2 semaphore(%arg9 : memref<!tpu.dma_semaphore, #tpu.memory_space<semaphore_mem>>) src(%arg5 : memref<32x1024xi32, #tpu.memory_space<vmem>>) dst(%dma_wait3A_32 : memref<32x1024xi32, #tpu.memory_space<hbm>>)
    } else {
    }
    %eq3A = arith.constant 31 : i32
    %eq3A_15 = arith.cmpi eq, %add3A, %eq3A : i32
    %convert_element_type3A_16 = arith.extui %eq3A_15 : i1 to i32
    %cond3A_17 = arith.constant 31 : i32
    %cond3A_18 = arith.constant 32 : i32
    %cond3A_19 = arith.constant 0 : i32
    %cond3A_20 = arith.cmpi ne, %convert_element_type3A_16, %cond3A_19 : i32
    scf.if %cond3A_20 {
      %scan3A_21 = arith.constant 0 : i32
      %scan3A_22 = arith.constant 0 : i32
      %scan3A_23 = arith.constant 8 : i32
      %scan3A_24 = arith.addi %scan3A_22, %scan3A_23 : i32
      %scan3A_25 = arith.constant 1 : i32
      scf.for %scan3A_45 = %scan3A_22 to %scan3A_24 step %scan3A_25  : i32 {
        %mul3A_46 = arith.constant 2 : i32
        %mul3A_47 = arith.muli %scan3A_45, %mul3A_46 : i32
        %add3A_48 = arith.constant 0 : i32
        %add3A_49 = arith.addi %mul3A_47, %add3A_48 : i32
        %mul3A_50 = arith.constant 1024 : i32
        %mul3A_51 = arith.muli %add3A_49, %mul3A_50 : i32
        %gt3A = arith.constant 0 : i32
        %gt3A_52 = arith.cmpi sgt, %scan3A_45, %gt3A : i32
        %convert_element_type3A_53 = arith.extui %gt3A_52 : i1 to i32
        %cond3A_54 = arith.constant 0 : i32
        %cond3A_55 = arith.cmpi ne, %convert_element_type3A_53, %cond3A_54 : i32
        scf.if %cond3A_55 {
          %sub3A = arith.constant 2 : i32
          %sub3A_96 = arith.subi %add3A_49, %sub3A : i32
          %mul3A_97 = arith.constant 1024 : i32
          %mul3A_98 = arith.muli %sub3A_96, %mul3A_97 : i32
          %multiple_of3A_99 = tpu.assume_multiple %mul3A_98, 1024 : i32
          %dma_wait3A_100 = arith.constant 0 : i32
          %dma_wait3A_101 = arith.constant 0 : i32
          %dma_wait3A_102 = tpu.memref_slice %arg4[%dma_wait3A_100, %dma_wait3A_101] : memref<32x1024xi32, #tpu.memory_space<vmem>> -> memref<8x1024xi32, #tpu.memory_space<vmem>>
          %dma_wait3A_103 = tpu.memref_slice %arg3[%mul3A_2, %multiple_of3A_99] : memref<1000x16384xi32, #tpu.memory_space<hbm>> -> memref<8x1024xi32, #tpu.memory_space<hbm>>
          %dma_wait3A_104 = tpu.memref_slice %arg3[%mul3A_2, %multiple_of3A_99] : memref<1000x16384xi32, #tpu.memory_space<hbm>> -> memref<8x1024xi32, #tpu.memory_space<hbm>>
          %dma_wait3A_105 = arith.constant 0 : i32
          %dma_wait3A_106 = arith.constant 0 : i32
          %dma_wait3A_107 = tpu.memref_slice %arg4[%dma_wait3A_105, %dma_wait3A_106] : memref<32x1024xi32, #tpu.memory_space<vmem>> -> memref<8x1024xi32, #tpu.memory_space<vmem>>
          tpu.wait_dma2 semaphore(%arg8 : memref<!tpu.dma_semaphore, #tpu.memory_space<semaphore_mem>>) src(%dma_wait3A_107 : memref<8x1024xi32, #tpu.memory_space<vmem>>) dst(%dma_wait3A_104 : memref<8x1024xi32, #tpu.memory_space<hbm>>)
          %scan3A_108 = arith.constant 0 : i32
          %scan3A_109 = arith.constant 0 : i32
          %scan3A_110 = arith.constant 16 : i32
          %scan3A_111 = arith.addi %scan3A_109, %scan3A_110 : i32
          %scan3A_112 = arith.constant 1 : i32
          scf.for %scan3A_114 = %scan3A_109 to %scan3A_111 step %scan3A_112  : i32 {
            %mul3A_115 = arith.constant 64 : i32
            %mul3A_116 = arith.muli %scan3A_114, %mul3A_115 : i32
            %add3A_117 = arith.constant 0 : i32
            %add3A_118 = arith.addi %mul3A_116, %add3A_117 : i32
            %add3A_119 = arith.addi %mul3A_98, %add3A_118 : i32
            %get3A = arith.index_cast %add3A_119 : i32 to index
            %get3A_120 = tpu.vector_load %arg6[%get3A] {strides = array<i32>} : memref<16384xi32, #tpu.memory_space<vmem>>, vector<16xi32>,
            %sub3A_121 = vector.broadcast %mul3A_2 : i32 to vector<16xi32>
            %sub3A_122 = arith.subi %get3A_120, %sub3A_121 : vector<16xi32>
            %and3A = vector.broadcast %cond3A_17 : i32 to vector<16xi32>
            %and3A_123 = arith.andi %sub3A_122, %and3A : vector<16xi32>
            %add3A_124 = vector.broadcast %add3A_118 : i32 to vector<16xi32>
            %add3A_125 = arith.addi %iota3A, %add3A_124 : vector<16xi32>
            tpu.vector_store_idx %arg4[%and3A_123, %add3A_125], %broadcast_in_dim3A_3 : memref<32x1024xi32, #tpu.memory_space<vmem>>[vector<16xi32>, vector<16xi32>], vector<16xi32>,
            %mul3A_126 = arith.constant 64 : i32
            %mul3A_127 = arith.muli %scan3A_114, %mul3A_126 : i32
            %add3A_128 = arith.constant 16 : i32
            %add3A_129 = arith.addi %mul3A_127, %add3A_128 : i32
            %add3A_130 = arith.addi %mul3A_98, %add3A_129 : i32
            %get3A_131 = arith.index_cast %add3A_130 : i32 to index
            %get3A_132 = tpu.vector_load %arg6[%get3A_131] {strides = array<i32>} : memref<16384xi32, #tpu.memory_space<vmem>>, vector<16xi32>,
            %sub3A_133 = vector.broadcast %mul3A_2 : i32 to vector<16xi32>
            %sub3A_134 = arith.subi %get3A_132, %sub3A_133 : vector<16xi32>
            %and3A_135 = vector.broadcast %cond3A_17 : i32 to vector<16xi32>
            %and3A_136 = arith.andi %sub3A_134, %and3A_135 : vector<16xi32>
            %add3A_137 = vector.broadcast %add3A_129 : i32 to vector<16xi32>
            %add3A_138 = arith.addi %iota3A, %add3A_137 : vector<16xi32>
            tpu.vector_store_idx %arg4[%and3A_136, %add3A_138], %broadcast_in_dim3A_3 : memref<32x1024xi32, #tpu.memory_space<vmem>>[vector<16xi32>, vector<16xi32>], vector<16xi32>,
            %mul3A_139 = arith.constant 64 : i32
            %mul3A_140 = arith.muli %scan3A_114, %mul3A_139 : i32
            %add3A_141 = arith.constant 32 : i32
            %add3A_142 = arith.addi %mul3A_140, %add3A_141 : i32
            %add3A_143 = arith.addi %mul3A_98, %add3A_142 : i32
            %get3A_144 = arith.index_cast %add3A_143 : i32 to index
            %get3A_145 = tpu.vector_load %arg6[%get3A_144] {strides = array<i32>} : memref<16384xi32, #tpu.memory_space<vmem>>, vector<16xi32>,
            %sub3A_146 = vector.broadcast %mul3A_2 : i32 to vector<16xi32>
            %sub3A_147 = arith.subi %get3A_145, %sub3A_146 : vector<16xi32>
            %and3A_148 = vector.broadcast %cond3A_17 : i32 to vector<16xi32>
            %and3A_149 = arith.andi %sub3A_147, %and3A_148 : vector<16xi32>
            %add3A_150 = vector.broadcast %add3A_142 : i32 to vector<16xi32>
            %add3A_151 = arith.addi %iota3A, %add3A_150 : vector<16xi32>
            tpu.vector_store_idx %arg4[%and3A_149, %add3A_151], %broadcast_in_dim3A_3 : memref<32x1024xi32, #tpu.memory_space<vmem>>[vector<16xi32>, vector<16xi32>], vector<16xi32>,
            %mul3A_152 = arith.constant 64 : i32
            %mul3A_153 = arith.muli %scan3A_114, %mul3A_152 : i32
            %add3A_154 = arith.constant 48 : i32
            %add3A_155 = arith.addi %mul3A_153, %add3A_154 : i32
            %add3A_156 = arith.addi %mul3A_98, %add3A_155 : i32
            %get3A_157 = arith.index_cast %add3A_156 : i32 to index
            %get3A_158 = tpu.vector_load %arg6[%get3A_157] {strides = array<i32>} : memref<16384xi32, #tpu.memory_space<vmem>>, vector<16xi32>,
            %sub3A_159 = vector.broadcast %mul3A_2 : i32 to vector<16xi32>
            %sub3A_160 = arith.subi %get3A_158, %sub3A_159 : vector<16xi32>
            %and3A_161 = vector.broadcast %cond3A_17 : i32 to vector<16xi32>
            %and3A_162 = arith.andi %sub3A_160, %and3A_161 : vector<16xi32>
            %add3A_163 = vector.broadcast %add3A_155 : i32 to vector<16xi32>
            %add3A_164 = arith.addi %iota3A, %add3A_163 : vector<16xi32>
            tpu.vector_store_idx %arg4[%and3A_162, %add3A_164], %broadcast_in_dim3A_3 : memref<32x1024xi32, #tpu.memory_space<vmem>>[vector<16xi32>, vector<16xi32>], vector<16xi32>,
          }
          %scan3A_113 = arith.constant 16 : i32
        } else {
        }
        %scan3A_56 = arith.constant 0 : i32
        %scan3A_57 = arith.constant 0 : i32
        %scan3A_58 = arith.constant 16 : i32
        %scan3A_59 = arith.addi %scan3A_57, %scan3A_58 : i32
        %scan3A_60 = arith.constant 1 : i32
        scf.for %scan3A_96 = %scan3A_57 to %scan3A_59 step %scan3A_60  : i32 {
          %mul3A_97 = arith.constant 64 : i32
          %mul3A_98 = arith.muli %scan3A_96, %mul3A_97 : i32
          %add3A_99 = arith.constant 0 : i32
          %add3A_100 = arith.addi %mul3A_98, %add3A_99 : i32
          %add3A_101 = arith.addi %mul3A_51, %add3A_100 : i32
          %get3A = arith.index_cast %add3A_101 : i32 to index
          %get3A_102 = tpu.vector_load %arg6[%get3A] {strides = array<i32>} : memref<16384xi32, #tpu.memory_space<vmem>>, vector<16xi32>,
          %sub3A = vector.broadcast %mul3A_2 : i32 to vector<16xi32>
          %sub3A_103 = arith.subi %get3A_102, %sub3A : vector<16xi32>
          %bitcast3A = vector.bitcast %sub3A_103 : vector<16xi32> to vector<16xi32>
          %lt3A_104 = vector.broadcast %cond3A_18 : i32 to vector<16xi32>
          %lt3A_105 = arith.cmpi ult, %bitcast3A, %lt3A_104 : vector<16xi32>
          %add3A_106 = vector.broadcast %add3A_100 : i32 to vector<16xi32>
          %add3A_107 = arith.addi %iota3A, %add3A_106 : vector<16xi32>
          tpu.vector_store_idx %arg4[%sub3A_103, %add3A_107], %broadcast_in_dim3A_5 masked %lt3A_105 : memref<32x1024xi32, #tpu.memory_space<vmem>>[vector<16xi32>, vector<16xi32>], vector<16xi32>, vector<16xi1>
          %mul3A_108 = arith.constant 64 : i32
          %mul3A_109 = arith.muli %scan3A_96, %mul3A_108 : i32
          %add3A_110 = arith.constant 16 : i32
          %add3A_111 = arith.addi %mul3A_109, %add3A_110 : i32
          %add3A_112 = arith.addi %mul3A_51, %add3A_111 : i32
          %get3A_113 = arith.index_cast %add3A_112 : i32 to index
          %get3A_114 = tpu.vector_load %arg6[%get3A_113] {strides = array<i32>} : memref<16384xi32, #tpu.memory_space<vmem>>, vector<16xi32>,
          %sub3A_115 = vector.broadcast %mul3A_2 : i32 to vector<16xi32>
          %sub3A_116 = arith.subi %get3A_114, %sub3A_115 : vector<16xi32>
          %bitcast3A_117 = vector.bitcast %sub3A_116 : vector<16xi32> to vector<16xi32>
          %lt3A_118 = vector.broadcast %cond3A_18 : i32 to vector<16xi32>
          %lt3A_119 = arith.cmpi ult, %bitcast3A_117, %lt3A_118 : vector<16xi32>
          %add3A_120 = vector.broadcast %add3A_111 : i32 to vector<16xi32>
          %add3A_121 = arith.addi %iota3A, %add3A_120 : vector<16xi32>
          tpu.vector_store_idx %arg4[%sub3A_116, %add3A_121], %broadcast_in_dim3A_5 masked %lt3A_119 : memref<32x1024xi32, #tpu.memory_space<vmem>>[vector<16xi32>, vector<16xi32>], vector<16xi32>, vector<16xi1>
          %mul3A_122 = arith.constant 64 : i32
          %mul3A_123 = arith.muli %scan3A_96, %mul3A_122 : i32
          %add3A_124 = arith.constant 32 : i32
          %add3A_125 = arith.addi %mul3A_123, %add3A_124 : i32
          %add3A_126 = arith.addi %mul3A_51, %add3A_125 : i32
          %get3A_127 = arith.index_cast %add3A_126 : i32 to index
          %get3A_128 = tpu.vector_load %arg6[%get3A_127] {strides = array<i32>} : memref<16384xi32, #tpu.memory_space<vmem>>, vector<16xi32>,
          %sub3A_129 = vector.broadcast %mul3A_2 : i32 to vector<16xi32>
          %sub3A_130 = arith.subi %get3A_128, %sub3A_129 : vector<16xi32>
          %bitcast3A_131 = vector.bitcast %sub3A_130 : vector<16xi32> to vector<16xi32>
          %lt3A_132 = vector.broadcast %cond3A_18 : i32 to vector<16xi32>
          %lt3A_133 = arith.cmpi ult, %bitcast3A_131, %lt3A_132 : vector<16xi32>
          %add3A_134 = vector.broadcast %add3A_125 : i32 to vector<16xi32>
          %add3A_135 = arith.addi %iota3A, %add3A_134 : vector<16xi32>
          tpu.vector_store_idx %arg4[%sub3A_130, %add3A_135], %broadcast_in_dim3A_5 masked %lt3A_133 : memref<32x1024xi32, #tpu.memory_space<vmem>>[vector<16xi32>, vector<16xi32>], vector<16xi32>, vector<16xi1>
          %mul3A_136 = arith.constant 64 : i32
          %mul3A_137 = arith.muli %scan3A_96, %mul3A_136 : i32
          %add3A_138 = arith.constant 48 : i32
          %add3A_139 = arith.addi %mul3A_137, %add3A_138 : i32
          %add3A_140 = arith.addi %mul3A_51, %add3A_139 : i32
          %get3A_141 = arith.index_cast %add3A_140 : i32 to index
          %get3A_142 = tpu.vector_load %arg6[%get3A_141] {strides = array<i32>} : memref<16384xi32, #tpu.memory_space<vmem>>, vector<16xi32>,
          %sub3A_143 = vector.broadcast %mul3A_2 : i32 to vector<16xi32>
          %sub3A_144 = arith.subi %get3A_142, %sub3A_143 : vector<16xi32>
          %bitcast3A_145 = vector.bitcast %sub3A_144 : vector<16xi32> to vector<16xi32>
          %lt3A_146 = vector.broadcast %cond3A_18 : i32 to vector<16xi32>
          %lt3A_147 = arith.cmpi ult, %bitcast3A_145, %lt3A_146 : vector<16xi32>
          %add3A_148 = vector.broadcast %add3A_139 : i32 to vector<16xi32>
          %add3A_149 = arith.addi %iota3A, %add3A_148 : vector<16xi32>
          tpu.vector_store_idx %arg4[%sub3A_144, %add3A_149], %broadcast_in_dim3A_5 masked %lt3A_147 : memref<32x1024xi32, #tpu.memory_space<vmem>>[vector<16xi32>, vector<16xi32>], vector<16xi32>, vector<16xi1>
        }
        %scan3A_61 = arith.constant 16 : i32
        %multiple_of3A_62 = tpu.assume_multiple %mul3A_51, 1024 : i32
        %dma_start3A = arith.constant 0 : i32
        %dma_start3A_63 = arith.constant 0 : i32
        %dma_start3A_64 = tpu.memref_slice %arg4[%dma_start3A, %dma_start3A_63] : memref<32x1024xi32, #tpu.memory_space<vmem>> -> memref<8x1024xi32, #tpu.memory_space<vmem>>
        %dma_start3A_65 = tpu.memref_slice %arg3[%mul3A_2, %multiple_of3A_62] : memref<1000x16384xi32, #tpu.memory_space<hbm>> -> memref<8x1024xi32, #tpu.memory_space<hbm>>
        %dma_start3A_66 = tpu.memref_slice %arg3[%mul3A_2, %multiple_of3A_62] : memref<1000x16384xi32, #tpu.memory_space<hbm>> -> memref<8x1024xi32, #tpu.memory_space<hbm>>
        %dma_start3A_67 = arith.constant 0 : i32
        %dma_start3A_68 = arith.constant 0 : i32
        %dma_start3A_69 = tpu.memref_slice %arg4[%dma_start3A_67, %dma_start3A_68] : memref<32x1024xi32, #tpu.memory_space<vmem>> -> memref<8x1024xi32, #tpu.memory_space<vmem>>
        tpu.enqueue_dma source(%dma_start3A_69 : memref<8x1024xi32, #tpu.memory_space<vmem>>) target(%dma_start3A_66 : memref<8x1024xi32, #tpu.memory_space<hbm>>) target_semaphore(%arg8 : memref<!tpu.dma_semaphore, #tpu.memory_space<semaphore_mem>>)
        %mul3A_70 = arith.constant 2 : i32
        %mul3A_71 = arith.muli %scan3A_45, %mul3A_70 : i32
        %add3A_72 = arith.constant 1 : i32
        %add3A_73 = arith.addi %mul3A_71, %add3A_72 : i32
        %mul3A_74 = arith.constant 1024 : i32
        %mul3A_75 = arith.muli %add3A_73, %mul3A_74 : i32
        %gt3A_76 = arith.constant 0 : i32
        %gt3A_77 = arith.cmpi sgt, %scan3A_45, %gt3A_76 : i32
        %convert_element_type3A_78 = arith.extui %gt3A_77 : i1 to i32
        %cond3A_79 = arith.constant 0 : i32
        %cond3A_80 = arith.cmpi ne, %convert_element_type3A_78, %cond3A_79 : i32
        scf.if %cond3A_80 {
          %sub3A = arith.constant 2 : i32
          %sub3A_96 = arith.subi %add3A_73, %sub3A : i32
          %mul3A_97 = arith.constant 1024 : i32
          %mul3A_98 = arith.muli %sub3A_96, %mul3A_97 : i32
          %multiple_of3A_99 = tpu.assume_multiple %mul3A_98, 1024 : i32
          %dma_wait3A_100 = arith.constant 0 : i32
          %dma_wait3A_101 = arith.constant 0 : i32
          %dma_wait3A_102 = tpu.memref_slice %arg5[%dma_wait3A_100, %dma_wait3A_101] : memref<32x1024xi32, #tpu.memory_space<vmem>> -> memref<8x1024xi32, #tpu.memory_space<vmem>>
          %dma_wait3A_103 = tpu.memref_slice %arg3[%mul3A_2, %multiple_of3A_99] : memref<1000x16384xi32, #tpu.memory_space<hbm>> -> memref<8x1024xi32, #tpu.memory_space<hbm>>
          %dma_wait3A_104 = tpu.memref_slice %arg3[%mul3A_2, %multiple_of3A_99] : memref<1000x16384xi32, #tpu.memory_space<hbm>> -> memref<8x1024xi32, #tpu.memory_space<hbm>>
          %dma_wait3A_105 = arith.constant 0 : i32
          %dma_wait3A_106 = arith.constant 0 : i32
          %dma_wait3A_107 = tpu.memref_slice %arg5[%dma_wait3A_105, %dma_wait3A_106] : memref<32x1024xi32, #tpu.memory_space<vmem>> -> memref<8x1024xi32, #tpu.memory_space<vmem>>
          tpu.wait_dma2 semaphore(%arg9 : memref<!tpu.dma_semaphore, #tpu.memory_space<semaphore_mem>>) src(%dma_wait3A_107 : memref<8x1024xi32, #tpu.memory_space<vmem>>) dst(%dma_wait3A_104 : memref<8x1024xi32, #tpu.memory_space<hbm>>)
          %scan3A_108 = arith.constant 0 : i32
          %scan3A_109 = arith.constant 0 : i32
          %scan3A_110 = arith.constant 16 : i32
          %scan3A_111 = arith.addi %scan3A_109, %scan3A_110 : i32
          %scan3A_112 = arith.constant 1 : i32
          scf.for %scan3A_114 = %scan3A_109 to %scan3A_111 step %scan3A_112  : i32 {
            %mul3A_115 = arith.constant 64 : i32
            %mul3A_116 = arith.muli %scan3A_114, %mul3A_115 : i32
            %add3A_117 = arith.constant 0 : i32
            %add3A_118 = arith.addi %mul3A_116, %add3A_117 : i32
            %add3A_119 = arith.addi %mul3A_98, %add3A_118 : i32
            %get3A = arith.index_cast %add3A_119 : i32 to index
            %get3A_120 = tpu.vector_load %arg6[%get3A] {strides = array<i32>} : memref<16384xi32, #tpu.memory_space<vmem>>, vector<16xi32>,
            %sub3A_121 = vector.broadcast %mul3A_2 : i32 to vector<16xi32>
            %sub3A_122 = arith.subi %get3A_120, %sub3A_121 : vector<16xi32>
            %and3A = vector.broadcast %cond3A_17 : i32 to vector<16xi32>
            %and3A_123 = arith.andi %sub3A_122, %and3A : vector<16xi32>
            %add3A_124 = vector.broadcast %add3A_118 : i32 to vector<16xi32>
            %add3A_125 = arith.addi %iota3A, %add3A_124 : vector<16xi32>
            tpu.vector_store_idx %arg5[%and3A_123, %add3A_125], %broadcast_in_dim3A_3 : memref<32x1024xi32, #tpu.memory_space<vmem>>[vector<16xi32>, vector<16xi32>], vector<16xi32>,
            %mul3A_126 = arith.constant 64 : i32
            %mul3A_127 = arith.muli %scan3A_114, %mul3A_126 : i32
            %add3A_128 = arith.constant 16 : i32
            %add3A_129 = arith.addi %mul3A_127, %add3A_128 : i32
            %add3A_130 = arith.addi %mul3A_98, %add3A_129 : i32
            %get3A_131 = arith.index_cast %add3A_130 : i32 to index
            %get3A_132 = tpu.vector_load %arg6[%get3A_131] {strides = array<i32>} : memref<16384xi32, #tpu.memory_space<vmem>>, vector<16xi32>,
            %sub3A_133 = vector.broadcast %mul3A_2 : i32 to vector<16xi32>
            %sub3A_134 = arith.subi %get3A_132, %sub3A_133 : vector<16xi32>
            %and3A_135 = vector.broadcast %cond3A_17 : i32 to vector<16xi32>
            %and3A_136 = arith.andi %sub3A_134, %and3A_135 : vector<16xi32>
            %add3A_137 = vector.broadcast %add3A_129 : i32 to vector<16xi32>
            %add3A_138 = arith.addi %iota3A, %add3A_137 : vector<16xi32>
            tpu.vector_store_idx %arg5[%and3A_136, %add3A_138], %broadcast_in_dim3A_3 : memref<32x1024xi32, #tpu.memory_space<vmem>>[vector<16xi32>, vector<16xi32>], vector<16xi32>,
            %mul3A_139 = arith.constant 64 : i32
            %mul3A_140 = arith.muli %scan3A_114, %mul3A_139 : i32
            %add3A_141 = arith.constant 32 : i32
            %add3A_142 = arith.addi %mul3A_140, %add3A_141 : i32
            %add3A_143 = arith.addi %mul3A_98, %add3A_142 : i32
            %get3A_144 = arith.index_cast %add3A_143 : i32 to index
            %get3A_145 = tpu.vector_load %arg6[%get3A_144] {strides = array<i32>} : memref<16384xi32, #tpu.memory_space<vmem>>, vector<16xi32>,
            %sub3A_146 = vector.broadcast %mul3A_2 : i32 to vector<16xi32>
            %sub3A_147 = arith.subi %get3A_145, %sub3A_146 : vector<16xi32>
            %and3A_148 = vector.broadcast %cond3A_17 : i32 to vector<16xi32>
            %and3A_149 = arith.andi %sub3A_147, %and3A_148 : vector<16xi32>
            %add3A_150 = vector.broadcast %add3A_142 : i32 to vector<16xi32>
            %add3A_151 = arith.addi %iota3A, %add3A_150 : vector<16xi32>
            tpu.vector_store_idx %arg5[%and3A_149, %add3A_151], %broadcast_in_dim3A_3 : memref<32x1024xi32, #tpu.memory_space<vmem>>[vector<16xi32>, vector<16xi32>], vector<16xi32>,
            %mul3A_152 = arith.constant 64 : i32
            %mul3A_153 = arith.muli %scan3A_114, %mul3A_152 : i32
            %add3A_154 = arith.constant 48 : i32
            %add3A_155 = arith.addi %mul3A_153, %add3A_154 : i32
            %add3A_156 = arith.addi %mul3A_98, %add3A_155 : i32
            %get3A_157 = arith.index_cast %add3A_156 : i32 to index
            %get3A_158 = tpu.vector_load %arg6[%get3A_157] {strides = array<i32>} : memref<16384xi32, #tpu.memory_space<vmem>>, vector<16xi32>,
            %sub3A_159 = vector.broadcast %mul3A_2 : i32 to vector<16xi32>
            %sub3A_160 = arith.subi %get3A_158, %sub3A_159 : vector<16xi32>
            %and3A_161 = vector.broadcast %cond3A_17 : i32 to vector<16xi32>
            %and3A_162 = arith.andi %sub3A_160, %and3A_161 : vector<16xi32>
            %add3A_163 = vector.broadcast %add3A_155 : i32 to vector<16xi32>
            %add3A_164 = arith.addi %iota3A, %add3A_163 : vector<16xi32>
            tpu.vector_store_idx %arg5[%and3A_162, %add3A_164], %broadcast_in_dim3A_3 : memref<32x1024xi32, #tpu.memory_space<vmem>>[vector<16xi32>, vector<16xi32>], vector<16xi32>,
          }
          %scan3A_113 = arith.constant 16 : i32
        } else {
        }
        %scan3A_81 = arith.constant 0 : i32
        %scan3A_82 = arith.constant 0 : i32
        %scan3A_83 = arith.constant 16 : i32
        %scan3A_84 = arith.addi %scan3A_82, %scan3A_83 : i32
        %scan3A_85 = arith.constant 1 : i32
        scf.for %scan3A_96 = %scan3A_82 to %scan3A_84 step %scan3A_85  : i32 {
          %mul3A_97 = arith.constant 64 : i32
          %mul3A_98 = arith.muli %scan3A_96, %mul3A_97 : i32
          %add3A_99 = arith.constant 0 : i32
          %add3A_100 = arith.addi %mul3A_98, %add3A_99 : i32
          %add3A_101 = arith.addi %mul3A_75, %add3A_100 : i32
          %get3A = arith.index_cast %add3A_101 : i32 to index
          %get3A_102 = tpu.vector_load %arg6[%get3A] {strides = array<i32>} : memref<16384xi32, #tpu.memory_space<vmem>>, vector<16xi32>,
          %sub3A = vector.broadcast %mul3A_2 : i32 to vector<16xi32>
          %sub3A_103 = arith.subi %get3A_102, %sub3A : vector<16xi32>
          %bitcast3A = vector.bitcast %sub3A_103 : vector<16xi32> to vector<16xi32>
          %lt3A_104 = vector.broadcast %cond3A_18 : i32 to vector<16xi32>
          %lt3A_105 = arith.cmpi ult, %bitcast3A, %lt3A_104 : vector<16xi32>
          %add3A_106 = vector.broadcast %add3A_100 : i32 to vector<16xi32>
          %add3A_107 = arith.addi %iota3A, %add3A_106 : vector<16xi32>
          tpu.vector_store_idx %arg5[%sub3A_103, %add3A_107], %broadcast_in_dim3A_5 masked %lt3A_105 : memref<32x1024xi32, #tpu.memory_space<vmem>>[vector<16xi32>, vector<16xi32>], vector<16xi32>, vector<16xi1>
          %mul3A_108 = arith.constant 64 : i32
          %mul3A_109 = arith.muli %scan3A_96, %mul3A_108 : i32
          %add3A_110 = arith.constant 16 : i32
          %add3A_111 = arith.addi %mul3A_109, %add3A_110 : i32
          %add3A_112 = arith.addi %mul3A_75, %add3A_111 : i32
          %get3A_113 = arith.index_cast %add3A_112 : i32 to index
          %get3A_114 = tpu.vector_load %arg6[%get3A_113] {strides = array<i32>} : memref<16384xi32, #tpu.memory_space<vmem>>, vector<16xi32>,
          %sub3A_115 = vector.broadcast %mul3A_2 : i32 to vector<16xi32>
          %sub3A_116 = arith.subi %get3A_114, %sub3A_115 : vector<16xi32>
          %bitcast3A_117 = vector.bitcast %sub3A_116 : vector<16xi32> to vector<16xi32>
          %lt3A_118 = vector.broadcast %cond3A_18 : i32 to vector<16xi32>
          %lt3A_119 = arith.cmpi ult, %bitcast3A_117, %lt3A_118 : vector<16xi32>
          %add3A_120 = vector.broadcast %add3A_111 : i32 to vector<16xi32>
          %add3A_121 = arith.addi %iota3A, %add3A_120 : vector<16xi32>
          tpu.vector_store_idx %arg5[%sub3A_116, %add3A_121], %broadcast_in_dim3A_5 masked %lt3A_119 : memref<32x1024xi32, #tpu.memory_space<vmem>>[vector<16xi32>, vector<16xi32>], vector<16xi32>, vector<16xi1>
          %mul3A_122 = arith.constant 64 : i32
          %mul3A_123 = arith.muli %scan3A_96, %mul3A_122 : i32
          %add3A_124 = arith.constant 32 : i32
          %add3A_125 = arith.addi %mul3A_123, %add3A_124 : i32
          %add3A_126 = arith.addi %mul3A_75, %add3A_125 : i32
          %get3A_127 = arith.index_cast %add3A_126 : i32 to index
          %get3A_128 = tpu.vector_load %arg6[%get3A_127] {strides = array<i32>} : memref<16384xi32, #tpu.memory_space<vmem>>, vector<16xi32>,
          %sub3A_129 = vector.broadcast %mul3A_2 : i32 to vector<16xi32>
          %sub3A_130 = arith.subi %get3A_128, %sub3A_129 : vector<16xi32>
          %bitcast3A_131 = vector.bitcast %sub3A_130 : vector<16xi32> to vector<16xi32>
          %lt3A_132 = vector.broadcast %cond3A_18 : i32 to vector<16xi32>
          %lt3A_133 = arith.cmpi ult, %bitcast3A_131, %lt3A_132 : vector<16xi32>
          %add3A_134 = vector.broadcast %add3A_125 : i32 to vector<16xi32>
          %add3A_135 = arith.addi %iota3A, %add3A_134 : vector<16xi32>
          tpu.vector_store_idx %arg5[%sub3A_130, %add3A_135], %broadcast_in_dim3A_5 masked %lt3A_133 : memref<32x1024xi32, #tpu.memory_space<vmem>>[vector<16xi32>, vector<16xi32>], vector<16xi32>, vector<16xi1>
          %mul3A_136 = arith.constant 64 : i32
          %mul3A_137 = arith.muli %scan3A_96, %mul3A_136 : i32
          %add3A_138 = arith.constant 48 : i32
          %add3A_139 = arith.addi %mul3A_137, %add3A_138 : i32
          %add3A_140 = arith.addi %mul3A_75, %add3A_139 : i32
          %get3A_141 = arith.index_cast %add3A_140 : i32 to index
          %get3A_142 = tpu.vector_load %arg6[%get3A_141] {strides = array<i32>} : memref<16384xi32, #tpu.memory_space<vmem>>, vector<16xi32>,
          %sub3A_143 = vector.broadcast %mul3A_2 : i32 to vector<16xi32>
          %sub3A_144 = arith.subi %get3A_142, %sub3A_143 : vector<16xi32>
          %bitcast3A_145 = vector.bitcast %sub3A_144 : vector<16xi32> to vector<16xi32>
          %lt3A_146 = vector.broadcast %cond3A_18 : i32 to vector<16xi32>
          %lt3A_147 = arith.cmpi ult, %bitcast3A_145, %lt3A_146 : vector<16xi32>
          %add3A_148 = vector.broadcast %add3A_139 : i32 to vector<16xi32>
          %add3A_149 = arith.addi %iota3A, %add3A_148 : vector<16xi32>
          tpu.vector_store_idx %arg5[%sub3A_144, %add3A_149], %broadcast_in_dim3A_5 masked %lt3A_147 : memref<32x1024xi32, #tpu.memory_space<vmem>>[vector<16xi32>, vector<16xi32>], vector<16xi32>, vector<16xi1>
        }
        %scan3A_86 = arith.constant 16 : i32
        %multiple_of3A_87 = tpu.assume_multiple %mul3A_75, 1024 : i32
        %dma_start3A_88 = arith.constant 0 : i32
        %dma_start3A_89 = arith.constant 0 : i32
        %dma_start3A_90 = tpu.memref_slice %arg5[%dma_start3A_88, %dma_start3A_89] : memref<32x1024xi32, #tpu.memory_space<vmem>> -> memref<8x1024xi32, #tpu.memory_space<vmem>>
        %dma_start3A_91 = tpu.memref_slice %arg3[%mul3A_2, %multiple_of3A_87] : memref<1000x16384xi32, #tpu.memory_space<hbm>> -> memref<8x1024xi32, #tpu.memory_space<hbm>>
        %dma_start3A_92 = tpu.memref_slice %arg3[%mul3A_2, %multiple_of3A_87] : memref<1000x16384xi32, #tpu.memory_space<hbm>> -> memref<8x1024xi32, #tpu.memory_space<hbm>>
        %dma_start3A_93 = arith.constant 0 : i32
        %dma_start3A_94 = arith.constant 0 : i32
        %dma_start3A_95 = tpu.memref_slice %arg5[%dma_start3A_93, %dma_start3A_94] : memref<32x1024xi32, #tpu.memory_space<vmem>> -> memref<8x1024xi32, #tpu.memory_space<vmem>>
        tpu.enqueue_dma source(%dma_start3A_95 : memref<8x1024xi32, #tpu.memory_space<vmem>>) target(%dma_start3A_92 : memref<8x1024xi32, #tpu.memory_space<hbm>>) target_semaphore(%arg9 : memref<!tpu.dma_semaphore, #tpu.memory_space<semaphore_mem>>)
      }
      %scan3A_26 = arith.constant 8 : i32
      %multiple_of3A = arith.constant 14336 : i32
      %multiple_of3A_27 = tpu.assume_multiple %multiple_of3A, 1024 : i32
      %dma_wait3A = arith.constant 0 : i32
      %dma_wait3A_28 = arith.constant 0 : i32
      %dma_wait3A_29 = tpu.memref_slice %arg4[%dma_wait3A, %dma_wait3A_28] : memref<32x1024xi32, #tpu.memory_space<vmem>> -> memref<8x1024xi32, #tpu.memory_space<vmem>>
      %dma_wait3A_30 = tpu.memref_slice %arg3[%mul3A_2, %multiple_of3A_27] : memref<1000x16384xi32, #tpu.memory_space<hbm>> -> memref<8x1024xi32, #tpu.memory_space<hbm>>
      %dma_wait3A_31 = tpu.memref_slice %arg3[%mul3A_2, %multiple_of3A_27] : memref<1000x16384xi32, #tpu.memory_space<hbm>> -> memref<8x1024xi32, #tpu.memory_space<hbm>>
      %dma_wait3A_32 = arith.constant 0 : i32
      %dma_wait3A_33 = arith.constant 0 : i32
      %dma_wait3A_34 = tpu.memref_slice %arg4[%dma_wait3A_32, %dma_wait3A_33] : memref<32x1024xi32, #tpu.memory_space<vmem>> -> memref<8x1024xi32, #tpu.memory_space<vmem>>
      tpu.wait_dma2 semaphore(%arg8 : memref<!tpu.dma_semaphore, #tpu.memory_space<semaphore_mem>>) src(%dma_wait3A_34 : memref<8x1024xi32, #tpu.memory_space<vmem>>) dst(%dma_wait3A_31 : memref<8x1024xi32, #tpu.memory_space<hbm>>)
      %multiple_of3A_35 = arith.constant 15360 : i32
      %multiple_of3A_36 = tpu.assume_multiple %multiple_of3A_35, 1024 : i32
      %dma_wait3A_37 = arith.constant 0 : i32
      %dma_wait3A_38 = arith.constant 0 : i32
      %dma_wait3A_39 = tpu.memref_slice %arg5[%dma_wait3A_37, %dma_wait3A_38] : memref<32x1024xi32, #tpu.memory_space<vmem>> -> memref<8x1024xi32, #tpu.memory_space<vmem>>
      %dma_wait3A_40 = tpu.memref_slice %arg3[%mul3A_2, %multiple_of3A_36] : memref<1000x16384xi32, #tpu.memory_space<hbm>> -> memref<8x1024xi32, #tpu.memory_space<hbm>>
      %dma_wait3A_41 = tpu.memref_slice %arg3[%mul3A_2, %multiple_of3A_36] : memref<1000x16384xi32, #tpu.memory_space<hbm>> -> memref<8x1024xi32, #tpu.memory_space<hbm>>
      %dma_wait3A_42 = arith.constant 0 : i32
      %dma_wait3A_43 = arith.constant 0 : i32
      %dma_wait3A_44 = tpu.memref_slice %arg5[%dma_wait3A_42, %dma_wait3A_43] : memref<32x1024xi32, #tpu.memory_space<vmem>> -> memref<8x1024xi32, #tpu.memory_space<vmem>>
      tpu.wait_dma2 semaphore(%arg9 : memref<!tpu.dma_semaphore, #tpu.memory_space<semaphore_mem>>) src(%dma_wait3A_44 : memref<8x1024xi32, #tpu.memory_space<vmem>>) dst(%dma_wait3A_41 : memref<8x1024xi32, #tpu.memory_space<hbm>>)
    } else {
    }
    return
  }
}

</mosaic_0001>

<sc_bundles>
// kernel: kernel.3.cloned.1.call-start
scs
__scs_entry_jumppad:
0x0: {  	(pc) =	sbr.rel $0x88, $3  }
0x1: {  	(tag) =	ssettag $0x0;
	lr =	simm.s32 $0x1  }
0x2: {  	[smem:$0x3FA0] =	sst lr;
	_ =	strace $0xD0000000  }
0x3: {  	_ = 	snop  }
0x4: {  	_ = 	snop  }
0x5: {  	_ = 	snop  }
0x6: {  	_ = 	snop  }
0x7: {  	_ = 	snop  }
__scs_overlays_trampoline_lowered:
0x8: {  	[smem:$0x3FAF] =	sst s0  }
0x9: {  	[smem:$0x3FB0] =	sst s1  }
0xa: {  	[smem:$0x3FB1] =	sst s2  }
0xb: {  	[smem:$0x3FB2] =	sst s3  }
0xc: {  	[smem:$0x3FB3] =	sst s4  }
0xd: {  	[smem:$0x3FB4] =	sst s5  }
0xe: {  	[smem:$0x3FB5] =	sst s6  }
0xf: {  	[smem:$0x3FB6] =	sst s7  }
0x10: {  	[smem:$0x3FB7] =	sst s8  }
0x11: {  	[smem:$0x3FB8] =	sst s9;
	s0 =	simm.s32 @!p0 $0x0  }
0x12: {  	s1 =	sld [smem:$0x3F9E];
	s0 =	simm.s32 @p0 $0x1  }
0x13: {  	[smem:$0x3FB9] =	sst s0;
	s0 =	simm.s32 @!p1 $0x0  }
0x14: {  	s2 =	sld [smem:$0x3F9D];
	s0 =	simm.s32 @p1 $0x1  }
0x15: {  	[smem:$0x3FBA] =	sst s0;
	s0 =	simm.s32 @!p2 $0x0  }
0x16: {  	s3 =	sld [smem:$0x3FDB];
	s0 =	simm.s32 @p2 $0x1  }
0x17: {  	s4 =	simm.s32 $0x1BF5;
	[smem:$0x3FBC] =	sst s0  }
0x18: {  	s0 =	sld [smem:$0x3F9F];
	_ =	swait.ge [sflag:s4], $0x0  }
0x19: {  	s7 =	sld [smem:$0x3FA0]  }
0x1a: {  	s8 =	sadd.s32 $0xFFFFE003, lr  }
0x1b: {  	s9 =	sadd.s32 $0xFFFFFEF7, lr;
	s5 =	simm.s32 $0xFFFFFFFF;
	p2 =	slt.u32 s8, $0xFFFFF086  }
0x1c: {  	p1 =	slt.u32 s9, $0xF7A;
	s5 =	simm.s32 @!p2 $0x0  }
0x1d: {  	s5 =	simm.s32 @p1 $0x1;
	p0 =	seq.s32 s7, s2  }
0x1e: {  	s7 =	smul.u32 @!p0 $0xF7A, s2;
	p2 =	seq.s32 @!p0 s5, $0x0  }
0x1f: {  	s9 =	smul.u32 $0xF7A, s1;
	s8 =	simm.s32 @!p0 $0x1BF5;
	p2 =	por !p2, p0  }
0x20: {  	[sflag:s8] =	ssyncset.s32 @!p0 $0xFFFFF086;
	s6 =	sadd.s32 @!p0 s3, s7;
	s7 =	simm.s32 @!p0 $0x108  }
0x21: {  	s3 =	sadd.s32 s3, s9;
	s6 =	sadd.s32 @!p0 $0x88, s6;
	s7 =	simm.s32 @p2 $0x1082  }
0x22: {  	[simem:s7], [sflag:s8] =	dma.local @!p0 [hbm:s6], $0xF7A  }
0x23: {  	s9 =	sor.u32 $0xD0000000, s2;
	s6 =	simm.s32 $0x108;
	_ =	swait.ge @!p0 [sflag:s8], $0x0  }
0x24: {  	s3 =	sadd.s32 $0x88, s3;
	s6 =	simm.s32 @!p1 $0x1082;
	[sflag:s4] =	ssyncset.s32 $0xFFFFF086  }
0x25: {  	[simem:s6], [sflag:s4] =	dma.local [hbm:s3], $0xF7A  }
0x26: {  	[smem:$0x3FA0] =	sst s1;
	(tag) =	ssettag s2;
	_ =	strace s9  }
0x27: {  	s1 =	sld [smem:$0x3FB0]  }
0x28: {  	s2 =	sld [smem:$0x3FB1]  }
0x29: {  	s4 =	sld [smem:$0x3FB3]  }
0x2a: {  	p0 =	seq.s32 s5, $0x0;
	s5 =	sld [smem:$0x3FB4]  }
0x2b: {  	s6 =	sld [smem:$0x3FB5]  }
0x2c: {  	s7 =	sld [smem:$0x3FB6]  }
0x2d: {  	s3 =	simm.s32 $0x108;
	s8 =	sld [smem:$0x3FB7]  }
0x2e: {  	s3 =	simm.s32 @!p0 $0x1082;
	s9 =	sld [smem:$0x3FB8]  }
0x2f: {  	lr =	sadd.s32 s0, s3;
	s0 =	sld [smem:$0x3FAF]  }
0x30: {  	s3 =	sld [smem:$0x3FB2]  }
0x31: {  	[smem:$0x3FBB] =	sst s10  }
0x32: {  	s10 =	sld [smem:$0x3FB9];
	_ =	sdelay $0x3  }
0x33: {  	p0 =	seq.s32 s10, $0x1;
	s10 =	sld [smem:$0x3FBB];
	_ =	sdelay $0x3  }
0x34: {  	[smem:$0x3FBB] =	sst s10  }
0x35: {  	s10 =	sld [smem:$0x3FBA];
	_ =	sdelay $0x3  }
0x36: {  	p1 =	seq.s32 s10, $0x1;
	s10 =	sld [smem:$0x3FBB];
	_ =	sdelay $0x3  }
0x37: {  	[smem:$0x3FBB] =	sst s10  }
0x38: {  	s10 =	sld [smem:$0x3FBC]  }
0x39: {  	_ = 	snop;
	(pc) =	sbr.ind lr, $3  }
0x3a: {  	_ = 	snop  }
0x3b: {  	_ = 	snop  }
0x3c: {  	p2 =	seq.s32 s10, $0x1;
	s10 =	sld [smem:$0x3FBB]  }
0x3d: {  	_ =	shalt  }
0x3e: {  	_ =	shalt  }
0x3f: {  	_ =	shalt  }
0x40: {  	_ =	shalt  }
0x41: {  	_ =	shalt  }
0x42: {  	_ =	shalt  }
0x43: {  	_ =	shalt  }
0x44: {  	_ =	shalt  }
0x45: {  	_ =	shalt  }
0x46: {  	_ =	shalt  }
0x47: {  	_ =	shalt  }
0x48: {  	_ =	shalt  }
0x49: {  	_ =	shalt  }
0x4a: {  	_ =	shalt  }
0x4b: {  	_ =	shalt  }
0x4c: {  	_ =	shalt  }
0x4d: {  	_ =	shalt  }
0x4e: {  	_ =	shalt  }
0x4f: {  	_ =	shalt  }
0x50: {  	_ =	shalt  }
0x51: {  	_ =	shalt  }
0x52: {  	_ =	shalt  }
0x53: {  	_ =	shalt  }
0x54: {  	_ =	shalt  }
0x55: {  	_ =	shalt  }
0x56: {  	_ =	shalt  }
0x57: {  	_ =	shalt  }
0x58: {  	_ =	shalt  }
0x59: {  	_ =	shalt  }
0x5a: {  	_ =	shalt  }
0x5b: {  	_ =	shalt  }
0x5c: {  	_ =	shalt  }
0x5d: {  	_ =	shalt  }
0x5e: {  	_ =	shalt  }
0x5f: {  	_ =	shalt  }
0x60: {  	_ =	shalt  }
0x61: {  	_ =	shalt  }
0x62: {  	_ =	shalt  }
0x63: {  	_ =	shalt  }
0x64: {  	_ =	shalt  }
0x65: {  	_ =	shalt  }
0x66: {  	_ =	shalt  }
0x67: {  	_ =	shalt  }
0x68: {  	_ =	shalt  }
0x69: {  	_ =	shalt  }
0x6a: {  	_ =	shalt  }
0x6b: {  	_ =	shalt  }
0x6c: {  	_ =	shalt  }
0x6d: {  	_ =	shalt  }
0x6e: {  	_ =	shalt  }
0x6f: {  	_ =	shalt  }
0x70: {  	_ =	shalt  }
0x71: {  	_ =	shalt  }
0x72: {  	_ =	shalt  }
0x73: {  	_ =	shalt  }
0x74: {  	_ =	shalt  }
0x75: {  	_ =	shalt  }
0x76: {  	_ =	shalt  }
0x77: {  	_ =	shalt  }
0x78: {  	_ =	shalt  }
0x79: {  	_ =	shalt  }
0x7a: {  	_ =	shalt  }
0x7b: {  	_ =	shalt  }
0x7c: {  	_ =	shalt  }
0x7d: {  	_ =	shalt  }
0x7e: {  	_ =	shalt  }
0x7f: {  	_ =	shalt  }
0x80: {  	_ =	shalt  }
0x81: {  	_ =	shalt  }
0x82: {  	_ =	shalt  }
0x83: {  	_ =	shalt  }
0x84: {  	_ =	shalt  }
0x85: {  	_ =	shalt  }
0x86: {  	_ =	shalt  }
0x87: {  	_ =	shalt  }
.Lfunc_end0:
.L_simem_size_0:
called_computation_lowered:
.L_overlay_start_0:
0x88: {  	s2 =	sld [smem:$0x3FD9]  }
0x89: {  	s3 =	sld [smem:$0x3FFE];
	_ =	sdelay $0x1  }
0x8a: {  	s1 =	srdreg.scid  }
0x8b: {  	s0 =	sand.u32 $0x1, s1  }
0x8c: {  	s18 =	sshll.u32 s0, $0xA;
	s2 =	sadd.s32 s3, s2  }
0x8d: {  	s2 =	sadd.s32 s2, s18  }
0x8e: {  	[smem:$0x3FC7] =	sst s2  }
0x8f: {  	_ = 	snop  }
0x90: {  	s2 =	sld [smem:$0x3FC9]  }
0x91: {  	s19 =	sld [smem:$0x3FD0];
	(tm) =	ssettm $0x1  }
0x92: {  	s4 =	sld [smem:$0x3FFB];
	_ =	sdelay $0x3  }
0x93: {  	_ =	strace s4  }
0x94: {  	s4 =	sld [smem:$0x3FFC];
	_ =	sdelay $0x3  }
0x95: {  	_ =	strace s4  }
0x96: {  	s4 =	sld [smem:$0x3FFD];
	_ =	sdelay $0x3  }
0x97: {  	_ =	strace s4  }
0x98: {  	_ =	strace $0x8FFFFFFF  }
0x99: {  	s20 =	sld [smem:$0x3FDB];
	_ =	sdelay $0x1  }
0x9a: {  	s5 =	simm.s32 $_scs_section_size  }
0x9b: {  	s6 =	simm.s32 $_size__tile_overlayer_lowered;
	s7 =	simm.s32 $_tile_overlayer_lowered  }
0x9c: {  	s23 =	simm.s32 $0x1BFF;
	s22 =	sshll.u32 s7, $0x1;
	s4 =	sadd.s32 s5, s20  }
0x9d: {  	s8 =	simm.s32 $0x0;
	s21 =	sshll.u32 s6, $0x1;
	s6 =	sadd.s32 s22, s4  }
0x9e: {  	[timem:s8], [sflag:s23] =	dma.local [hbm:s6], s21  }
0x9f: {  	_ =	swait.ge [sflag:s23], s21  }
0xa0: {  	s5 =	ssub.s32 $0x0, s21;
	[sflag:s23] =	ssyncset.done $0x0  }
0xa1: {  	[sflag:s23] =	ssyncadd.s32 s5;
	_ =	sdelay $0x1  }
0xa2: {  	s24 =	simm.s32 $0x1B8B  }
0xa3: {  	_ =	swait.ge [sflag:s24], $0x1  }
0xa4: {  	[sflag:s24] =	ssyncset.done $0x0  }
0xa5: {  	s25 =	simm.s32 $0x1B8E;
	[sflag:s24] =	ssyncadd.s32 $0xFFFFFFFF  }
0xa6: {  	s26 =	simm.s32 $execute0_lowered;
	[smem:$0x3FD2] =	sst s25  }
0xa7: {  	s5 =	sshll.u32 s26, $0x1;
	_ =	strace $0x80000046;
	[dreg:$0x1] =	wrdreg $0xFFFFFFFF  }
0xa8: {  	s28 =	simm.s32 $_size_execute0_lowered;
	s4 =	sadd.s32 s4, s5;
	[dreg:$0x0] =	wrdreg $0x0  }
0xa9: {  	s5 =	sshll.u32 s28, $0x1;
	[dreg:$0x2] =	wrdreg s4  }
0xaa: {  	[dreg:$0x3] =	wrdreg s5  }
0xab: {  	[dreg:$0x4] =	wrdreg $0xC0  }
0xac: {  	_ =	task [dreg:s8], $0x5FFFF  }
0xad: {  	[dreg:$0x1] =	wrdreg $0xFFFFFFFF  }
0xae: {  	[dreg:$0x0] =	wrdreg $0x60  }
0xaf: {  	[dreg:$0x2] =	wrdreg s2  }
0xb0: {  	[dreg:$0x3] =	wrdreg s19  }
0xb1: {  	[dreg:$0x4] =	wrdreg $0x9  }
0xb2: {  	_ =	task.clear_ibuf [dreg:s8], $0x5FFFF;
	_ =	strace $0x90000046  }
0xb3: {  	s29 =	simm.s32 $0x9;
	_ =	strace $0x80000048  }
0xb4: {  	_ =	swait.ge [sflag:s29], $0x1  }
0xb5: {  	[sflag:s29] =	ssyncadd.s32 $0xFFFFFFFF  }
0xb6: {  	_ =	strace $0x90000048  }
0xb7: {  	_ =	sfence  }
0xb8: {  	s30 =	sld [smem:$0x0];
	_ =	sdelay $0x2  }
0xb9: {  	s31 =	sshll.u32 s1, $0xD;
	s1 =	sshrl.u32 s1, $0x2  }
0xba: {  	s3 =	sand.u32 $0x4000, s31;
	s1 =	sadd.s32 s1, s30  }
0xbb: {  	s0 =	sor.u32 s3, s0;
	s1 =	sshll.u32 s1, $0x11  }
0xbc: {  	s0 =	sor.u32 s1, s0  }
0xbd: {  	s0 =	sadd.s32 $0x8F2B, s0  }
0xbe: {  	[sflag:s0] =	ssyncadd.remote.s32 $0x1  }
0xbf: {  	_ =	sfence.sel $0xFFFF  }
0xc0: {  	[dreg:$0x0] =	wrdreg $0xFFFFFFFF;
	(pc) =	sbr.abs _section_cstart, $3  }
0xc1: {  	[dreg:$0x1] =	wrdreg $0xFFFFFFFF  }
0xc2: {  	_ =	task.clear_ibuf [dreg:s8], $0x2FFFF;
	_ =	strace $0x9FFFFFFF  }
0xc3: {  	(tm) =	ssettm $0x7FFFFFFF  }
tec
execute0_lowered:
.L_overlay_start_1:
0x0: {  	(tag) =	ssettag $0x1  }
0x1: {  	s2 =	rddreg [dreg:$0x0]  }
0x2: {  	s6 =	rddreg [dreg:$0x1]  }
0x3: {  	s0 =	rddreg [dreg:$0x2]  }
0x4: {  	s4 =	srdreg.scid;
	s1 =	stileid.u32;
	s3 =	simm.s32 $0x0  }
0x5: {  	s8 =	simm.s32 $0x10000;
	s11 =	simm.s32 $0x2;
	s12 =	simm.s32 $0x3  }
0x6: {  	s13 =	simm.s32 $0x2000;
	s14 =	simm.s32 $0x20000;
	s15 =	simm.s32 $0x0  }
0x7: {  	s4 =	sand.u32 $0x1, s4;
	s5 =	sshll.u32 s1, $0x1;
	[smem:$0x7FF] =	sst s3  }
.Ltmp0:
0x8: {  	s7 =	ssub.s32 $0x2, s4;
	s9 =	sor.u32 s4, s5;
	(pc) =	sbr.rel .LBB2_1-.Ltmp0, $4  }
0x9: {  	_ =	strace $0x80000047;
	s31 =	sshrl.u32 s7, $0x1;
	s5 =	sshll.u32 s9, $0x10  }
0xa: {  	s10 =	sshll.u32 s9, $0x5;
	p0 =	seq.s32 s9, $0x1F;
	s9 =	simm.s32 $0x1  }
0xb: {  	v1 =	vimm.s32 $0x0;
	s7 =	ssub.s32 s7, s31;
	s4 =	sadd.s32 s6, s5;
	s5 =	sadd.s32 $0x1F0000, s6  }
0xc: {  	v2 =	vlaneseq.u32;
	v3 =	vimm.s32 $0x1;
	s6 =	sadd.s32 $0x1F0400, s6;
	v0 =	vmov s10;
	s10 =	simm.s32 $0x8000;
	s7 =	smax.u32 s7, $0x1  }
.LBB2_28:
0xd: {  	s15 =	sadd.s32 $0x1, s15  }
0xe: {  	p1 =	sne.s32 s15, s7  }
.Ltmp1:
0xf: {  	_ = 	snop;
	(pc) =	sbr.rel @!p1 .LBB2_29-.Ltmp1, $1  }
0x10: {  	_ =	sdelay $0x3  }
.LBB2_1:
0x11: {  	[tilespmem:s8], [sflag:$0x1] =	stream.linear.gather [hbm4b:s2+s3], $0x4000, $0x38;
	[tilespmem:$0x14000] =	vst v63  }
0x12: {  	s16 =	simm.s32 $0xFFFF8000  }
0x13: {  	s17 =	simm.s32 $0x0;
	s18 =	simm.s32 $0x0;
	s19 =	simm.s32 $0x0  }
.LBB2_2:
0x14: {  	s20 =	sadd.s32 $0x8000, s16  }
0x15: {  	s21 =	sand.u32 $0x380, s19;
	s20 =	sand.u32 $0x6000, s20  }
0x16: {  	s20 =	sor.u32 s21, s20  }
0x17: {  	[tilespmem:s20+$0x0] =	vst v1  }
0x18: {  	[tilespmem:s20+$0x10] =	vst v1  }
0x19: {  	[tilespmem:s20+$0x20] =	vst v1  }
0x1a: {  	[tilespmem:s20+$0x30] =	vst v1  }
0x1b: {  	[tilespmem:s20+$0x40] =	vst v1  }
0x1c: {  	[tilespmem:s20+$0x50] =	vst v1  }
0x1d: {  	[tilespmem:s20+$0x60] =	vst v1  }
0x1e: {  	[tilespmem:s20+$0x70] =	vst v1  }
0x1f: {  	[tilespmem:s20+$0x400] =	vst v1  }
0x20: {  	[tilespmem:s20+$0x410] =	vst v1  }
0x21: {  	[tilespmem:s20+$0x420] =	vst v1  }
0x22: {  	[tilespmem:s20+$0x430] =	vst v1  }
0x23: {  	[tilespmem:s20+$0x440] =	vst v1  }
0x24: {  	[tilespmem:s20+$0x450] =	vst v1  }
0x25: {  	[tilespmem:s20+$0x460] =	vst v1  }
0x26: {  	[tilespmem:s20+$0x470] =	vst v1  }
0x27: {  	[tilespmem:s20+$0x800] =	vst v1  }
0x28: {  	[tilespmem:s20+$0x810] =	vst v1  }
0x29: {  	[tilespmem:s20+$0x820] =	vst v1  }
0x2a: {  	[tilespmem:s20+$0x830] =	vst v1  }
0x2b: {  	[tilespmem:s20+$0x840] =	vst v1  }
0x2c: {  	[tilespmem:s20+$0x850] =	vst v1  }
0x2d: {  	[tilespmem:s20+$0x860] =	vst v1  }
0x2e: {  	[tilespmem:s20+$0x870] =	vst v1  }
0x2f: {  	[tilespmem:s20+$0xC00] =	vst v1  }
0x30: {  	[tilespmem:s20+$0xC10] =	vst v1  }
0x31: {  	[tilespmem:s20+$0xC20] =	vst v1  }
0x32: {  	[tilespmem:s20+$0xC30] =	vst v1  }
0x33: {  	[tilespmem:s20+$0xC40] =	vst v1  }
0x34: {  	[tilespmem:s20+$0xC50] =	vst v1  }
0x35: {  	[tilespmem:s20+$0xC60] =	vst v1  }
0x36: {  	[tilespmem:s20+$0xC70] =	vst v1  }
0x37: {  	[tilespmem:s20+$0x1000] =	vst v1  }
0x38: {  	[tilespmem:s20+$0x1010] =	vst v1  }
0x39: {  	[tilespmem:s20+$0x1020] =	vst v1  }
0x3a: {  	[tilespmem:s20+$0x1030] =	vst v1  }
0x3b: {  	[tilespmem:s20+$0x1040] =	vst v1  }
0x3c: {  	[tilespmem:s20+$0x1050] =	vst v1  }
0x3d: {  	[tilespmem:s20+$0x1060] =	vst v1  }
0x3e: {  	[tilespmem:s20+$0x1070] =	vst v1  }
0x3f: {  	[tilespmem:s20+$0x1400] =	vst v1  }
0x40: {  	[tilespmem:s20+$0x1410] =	vst v1  }
0x41: {  	[tilespmem:s20+$0x1420] =	vst v1  }
0x42: {  	[tilespmem:s20+$0x1430] =	vst v1  }
0x43: {  	[tilespmem:s20+$0x1440] =	vst v1  }
0x44: {  	[tilespmem:s20+$0x1450] =	vst v1  }
0x45: {  	[tilespmem:s20+$0x1460] =	vst v1  }
0x46: {  	[tilespmem:s20+$0x1470] =	vst v1  }
0x47: {  	[tilespmem:s20+$0x1800] =	vst v1  }
0x48: {  	[tilespmem:s20+$0x1810] =	vst v1  }
0x49: {  	[tilespmem:s20+$0x1820] =	vst v1  }
0x4a: {  	[tilespmem:s20+$0x1830] =	vst v1  }
0x4b: {  	s31 =	sand.u32 $0x7, s17;
	[tilespmem:s20+$0x1840] =	vst v1  }
0x4c: {  	s21 =	sshll.u32 s31, $0x7;
	[tilespmem:s20+$0x1850] =	vst v1  }
0x4d: {  	s28 =	sadd.s32 s21, s18;
	[tilespmem:s20+$0x1860] =	vst v1  }
0x4e: {  	[tilespmem:s20+$0x1870] =	vst v1;
	s21 =	sor.u32 $0x1C00, s28  }
0x4f: {  	s22 =	sor.u32 $0x1C10, s28;
	[tilespmem:s21+$0x0] =	vst v1  }
0x50: {  	s23 =	sor.u32 $0x1C20, s28;
	[tilespmem:s22+$0x0] =	vst v1  }
0x51: {  	s24 =	sor.u32 $0x1C30, s28;
	[tilespmem:s23+$0x0] =	vst v1  }
0x52: {  	s25 =	sor.u32 $0x1C40, s28;
	[tilespmem:s24+$0x0] =	vst v1  }
0x53: {  	s26 =	sor.u32 $0x1C50, s28;
	[tilespmem:s25+$0x0] =	vst v1  }
0x54: {  	s29 =	sor.u32 $0x1C60, s28;
	[tilespmem:s26+$0x0] =	vst v1  }
0x55: {  	s28 =	sor.u32 $0x1C70, s28;
	[tilespmem:s29+$0x0] =	vst v1  }
0x56: {  	[tilespmem:s28+$0x0] =	vst v1  }
0x57: {  	[tilespmem:s20+$0x8000] =	vst v1  }
0x58: {  	[tilespmem:s20+$0x8010] =	vst v1  }
0x59: {  	[tilespmem:s20+$0x8020] =	vst v1  }
0x5a: {  	[tilespmem:s20+$0x8030] =	vst v1  }
0x5b: {  	[tilespmem:s20+$0x8040] =	vst v1  }
0x5c: {  	[tilespmem:s20+$0x8050] =	vst v1  }
0x5d: {  	[tilespmem:s20+$0x8060] =	vst v1  }
0x5e: {  	[tilespmem:s20+$0x8070] =	vst v1  }
0x5f: {  	[tilespmem:s20+$0x8400] =	vst v1  }
0x60: {  	[tilespmem:s20+$0x8410] =	vst v1  }
0x61: {  	[tilespmem:s20+$0x8420] =	vst v1  }
0x62: {  	[tilespmem:s20+$0x8430] =	vst v1  }
0x63: {  	[tilespmem:s20+$0x8440] =	vst v1  }
0x64: {  	[tilespmem:s20+$0x8450] =	vst v1  }
0x65: {  	[tilespmem:s20+$0x8460] =	vst v1  }
0x66: {  	[tilespmem:s20+$0x8470] =	vst v1  }
0x67: {  	[tilespmem:s20+$0x8800] =	vst v1  }
0x68: {  	[tilespmem:s20+$0x8810] =	vst v1  }
0x69: {  	[tilespmem:s20+$0x8820] =	vst v1  }
0x6a: {  	[tilespmem:s20+$0x8830] =	vst v1  }
0x6b: {  	[tilespmem:s20+$0x8840] =	vst v1  }
0x6c: {  	[tilespmem:s20+$0x8850] =	vst v1  }
0x6d: {  	[tilespmem:s20+$0x8860] =	vst v1  }
0x6e: {  	[tilespmem:s20+$0x8870] =	vst v1  }
0x6f: {  	[tilespmem:s20+$0x8C00] =	vst v1  }
0x70: {  	[tilespmem:s20+$0x8C10] =	vst v1  }
0x71: {  	[tilespmem:s20+$0x8C20] =	vst v1  }
0x72: {  	[tilespmem:s20+$0x8C30] =	vst v1  }
0x73: {  	[tilespmem:s20+$0x8C40] =	vst v1  }
0x74: {  	[tilespmem:s20+$0x8C50] =	vst v1  }
0x75: {  	[tilespmem:s20+$0x8C60] =	vst v1  }
0x76: {  	[tilespmem:s20+$0x8C70] =	vst v1  }
0x77: {  	[tilespmem:s20+$0x9000] =	vst v1  }
0x78: {  	[tilespmem:s20+$0x9010] =	vst v1  }
0x79: {  	[tilespmem:s20+$0x9020] =	vst v1  }
0x7a: {  	[tilespmem:s20+$0x9030] =	vst v1  }
0x7b: {  	[tilespmem:s20+$0x9040] =	vst v1  }
0x7c: {  	[tilespmem:s20+$0x9050] =	vst v1  }
0x7d: {  	[tilespmem:s20+$0x9060] =	vst v1  }
0x7e: {  	[tilespmem:s20+$0x9070] =	vst v1  }
0x7f: {  	[tilespmem:s20+$0x9400] =	vst v1  }
0x80: {  	[tilespmem:s20+$0x9410] =	vst v1  }
0x81: {  	[tilespmem:s20+$0x9420] =	vst v1  }
0x82: {  	[tilespmem:s20+$0x9430] =	vst v1  }
0x83: {  	[tilespmem:s20+$0x9440] =	vst v1  }
0x84: {  	[tilespmem:s20+$0x9450] =	vst v1  }
0x85: {  	[tilespmem:s20+$0x9460] =	vst v1  }
0x86: {  	[tilespmem:s20+$0x9470] =	vst v1  }
0x87: {  	[tilespmem:s20+$0x9800] =	vst v1  }
0x88: {  	[tilespmem:s20+$0x9810] =	vst v1  }
0x89: {  	[tilespmem:s20+$0x9820] =	vst v1  }
0x8a: {  	[tilespmem:s20+$0x9830] =	vst v1  }
0x8b: {  	[tilespmem:s20+$0x9840] =	vst v1  }
0x8c: {  	[tilespmem:s20+$0x9850] =	vst v1  }
0x8d: {  	[tilespmem:s20+$0x9860] =	vst v1  }
0x8e: {  	[tilespmem:s20+$0x9870] =	vst v1  }
0x8f: {  	[tilespmem:s21+$0x8000] =	vst v1  }
0x90: {  	[tilespmem:s22+$0x8000] =	vst v1  }
0x91: {  	p1 =	sne.s32 s19, $0xF80;
	[tilespmem:s23+$0x8000] =	vst v1  }
.Ltmp2:
0x92: {  	[tilespmem:s24+$0x8000] =	vst v1;
	(pc) =	sbr.rel @p1 .LBB2_2-.Ltmp2, $4  }
0x93: {  	[tilespmem:s25+$0x8000] =	vst v1  }
0x94: {  	[tilespmem:s26+$0x8000] =	vst v1  }
0x95: {  	s17 =	sadd.s32 $0x1, s17;
	[tilespmem:s29+$0x8000] =	vst v1  }
0x96: {  	s16 =	sadd.s32 $0x400, s16;
	s19 =	sadd.s32 $0x80, s19;
	s18 =	sadd.s32 $0x400, s18;
	[tilespmem:s28+$0x8000] =	vst v1  }
.Ltmp3:
0x97: {  	(pc) =	sbr.rel @!p0 .LBB2_4-.Ltmp3, $4  }
0x98: {  	_ = 	snop  }
0x99: {  	_ =	swait.ge [sflag:s9], $0x4000  }
0x9a: {  	[sflag:s9] =	ssyncset.done $0x0  }
0x9b: {  	s16 =	simm.s32 $0x0;
	[sflag:s9] =	ssyncadd.s32 $0xFFFFC000  }
.LBB2_16:
0x9c: {  	p1 =	seq.s32 s16, $0x0  }
.Ltmp4:
0x9d: {  	_ = 	snop;
	(pc) =	sbr.rel @p1 .LBB2_19-.Ltmp4, $2  }
0x9e: {  	_ =	sdelay $0x2  }
0x9f: {  	s17 =	sshll.u32 s16, $0xB  }
0xa0: {  	_ =	swait.ge [sflag:s11], $0x2000  }
0xa1: {  	[sflag:s11] =	ssyncset.done $0x0  }
0xa2: {  	s18 =	sadd.s32 $0xF800, s17;
	s19 =	simm.s32 $0x0;
	[sflag:s11] =	ssyncadd.s32 $0xFFFFE000  }
.LBB2_18:
0xa3: {  	s20 =	sand.u32 $0x380, s19  }
0xa4: {  	s21 =	sand.u32 $0x40, s19;
	s20 =	sadd.s32 s20, s18  }
0xa5: {  	s21 =	sadd.s32 s21, s20  }
0xa6: {  	v4 =	vld [tilespmem:s21+$0x0];
	_ =	sdelay $0x2  }
0xa7: {  	v5 =	vmov s19  }
0xa8: {  	v6 =	vor.u32 s19, v2;
	v5 =	vshll.u32 v5, $0x3  }
0xa9: {  	v6 =	vand.u32 $0x4F, v6;
	v5 =	vand.u32 $0x1C00, v5;
	v7 =	vshll.u32 v4, $0xA  }
0xaa: {  	v5 =	vor.u32 v5, v6;
	v4 =	vshll.u32 v4, $0x7;
	v7 =	vand.u32 $0x6000, v7  }
0xab: {  	v4 =	vand.u32 $0x380, v4;
	v5 =	vor.u32 v7, v5  }
0xac: {  	v4 =	vor.u32 v4, v5;
	_ =	sdelay $0x2  }
0xad: {  	s26 =	sadd.s32 $0x10, s19  }
0xae: {  	s22 =	sand.u32 $0x50, s26  }
0xaf: {  	s22 =	sadd.s32 s22, s20;
	[tilespmem:v4+s3+$0x0] =	vst.idx.msk $0xffff, v1  }
0xb0: {  	v4 =	vld [tilespmem:s22+$0x0];
	_ =	sdelay $0x2  }
0xb1: {  	v5 =	vmov s26  }
0xb2: {  	v58 =	vor.u32 s26, v2;
	v5 =	vshll.u32 v5, $0x3  }
0xb3: {  	v6 =	vand.u32 $0x5F, v58;
	v5 =	vand.u32 $0x1C00, v5;
	v59 =	vshll.u32 v4, $0xA  }
0xb4: {  	v5 =	vor.u32 v5, v6;
	v4 =	vshll.u32 v4, $0x7;
	v7 =	vand.u32 $0x6000, v59  }
0xb5: {  	v4 =	vand.u32 $0x380, v4;
	v5 =	vor.u32 v7, v5  }
0xb6: {  	v4 =	vor.u32 v4, v5;
	_ =	sdelay $0x2  }
0xb7: {  	s28 =	sadd.s32 $0x20, s19  }
0xb8: {  	s29 =	sand.u32 $0x60, s28  }
0xb9: {  	s22 =	sadd.s32 s29, s20;
	[tilespmem:v4+s3+$0x0] =	vst.idx.msk $0xffff, v1  }
0xba: {  	v4 =	vld [tilespmem:s22+$0x0];
	_ =	sdelay $0x2  }
0xbb: {  	v5 =	vmov s28  }
0xbc: {  	v60 =	vor.u32 s28, v2;
	v5 =	vshll.u32 v5, $0x3  }
0xbd: {  	v6 =	vand.u32 $0x6F, v60;
	v5 =	vand.u32 $0x1C00, v5;
	v61 =	vshll.u32 v4, $0xA  }
0xbe: {  	v5 =	vor.u32 v5, v6;
	v4 =	vshll.u32 v4, $0x7;
	v7 =	vand.u32 $0x6000, v61  }
0xbf: {  	v4 =	vand.u32 $0x380, v4;
	v5 =	vor.u32 v7, v5  }
0xc0: {  	v4 =	vor.u32 v4, v5;
	_ =	sdelay $0x2  }
0xc1: {  	s30 =	sadd.s32 $0x30, s19  }
0xc2: {  	s31 =	sand.u32 $0x70, s30  }
0xc3: {  	s20 =	sadd.s32 s31, s20;
	[tilespmem:v4+s3+$0x0] =	vst.idx.msk $0xffff, v1  }
0xc4: {  	v4 =	vld [tilespmem:s20+$0x0];
	_ =	sdelay $0x2  }
0xc5: {  	v5 =	vmov s30  }
0xc6: {  	v62 =	vor.u32 s30, v2;
	v5 =	vshll.u32 v5, $0x3  }
0xc7: {  	v6 =	vand.u32 $0x7F, v62;
	v5 =	vand.u32 $0x1C00, v5;
	v63 =	vshll.u32 v4, $0xA  }
0xc8: {  	v5 =	vor.u32 v5, v6;
	v4 =	vshll.u32 v4, $0x7;
	v7 =	vand.u32 $0x6000, v63  }
0xc9: {  	v4 =	vand.u32 $0x380, v4;
	v5 =	vor.u32 v7, v5  }
0xca: {  	p2 =	sne.s32 s19, $0x3C0;
	v4 =	vor.u32 v4, v5  }
.Ltmp5:
0xcb: {  	_ = 	snop;
	(pc) =	sbr.rel @p2 .LBB2_18-.Ltmp5, $2  }
0xcc: {  	_ =	sdelay $0x2  }
0xcd: {  	s19 =	sadd.s32 $0x40, s19;
	[tilespmem:v4+s3+$0x0] =	vst.idx.msk $0xffff, v1  }
.LBB2_19:
0xce: {  	s18 =	sadd.s32 $0x10000, s17;
	s19 =	simm.s32 $0x0  }
.LBB2_20:
0xcf: {  	s20 =	sand.u32 $0x380, s19  }
0xd0: {  	s21 =	sand.u32 $0x40, s19;
	s20 =	sadd.s32 s20, s18  }
0xd1: {  	s21 =	sadd.s32 s21, s20  }
0xd2: {  	v4 =	vld [tilespmem:s21+$0x0];
	_ =	sdelay $0x2  }
0xd3: {  	v5 =	vmov s19;
	v7 =	vor.u32 s19, v2  }
0xd4: {  	v5 =	vshll.u32 v5, $0x3;
	v7 =	vand.u32 $0x4F, v7  }
0xd5: {  	v5 =	vand.u32 $0x1C00, v5;
	v6 =	vsub.s32 v4, v0;
	v4 =	vshll.u32 v4, $0x7  }
0xd6: {  	v5 =	vor.u32 v5, v7;
	v50 =	vshll.u32 v6, $0xA;
	v4 =	vand.u32 $0x380, v4  }
0xd7: {  	vm0 =	vlt.u32 v6, $0x20;
	v51 =	vand.u32 $0xFFFFE000, v50;
	v4 =	vor.u32 v4, v5  }
0xd8: {  	v4 =	vor.u32 v51, v4;
	_ =	sdelay $0x2  }
0xd9: {  	s26 =	sadd.s32 $0x10, s19  }
0xda: {  	s22 =	sand.u32 $0x50, s26  }
0xdb: {  	s22 =	sadd.s32 s22, s20;
	[tilespmem:v4+s3+$0x0] =	vst.idx.msk vm0, v3  }
0xdc: {  	v4 =	vld [tilespmem:s22+$0x0];
	_ =	sdelay $0x2  }
0xdd: {  	v53 =	vor.u32 s26, v2;
	v5 =	vmov s26  }
0xde: {  	v7 =	vand.u32 $0x5F, v53;
	v5 =	vshll.u32 v5, $0x3  }
0xdf: {  	v5 =	vand.u32 $0x1C00, v5;
	v52 =	vsub.s32 v4, v0;
	v4 =	vshll.u32 v4, $0x7  }
0xe0: {  	v5 =	vor.u32 v5, v7;
	v54 =	vshll.u32 v52, $0xA;
	v4 =	vand.u32 $0x380, v4  }
0xe1: {  	vm13 =	vlt.u32 v52, $0x20;
	v55 =	vand.u32 $0xFFFFE000, v54;
	v4 =	vor.u32 v4, v5  }
0xe2: {  	v4 =	vor.u32 v55, v4;
	_ =	sdelay $0x2  }
0xe3: {  	s28 =	sadd.s32 $0x20, s19  }
0xe4: {  	s29 =	sand.u32 $0x60, s28  }
0xe5: {  	s22 =	sadd.s32 s29, s20;
	[tilespmem:v4+s3+$0x0] =	vst.idx.msk vm13, v3  }
0xe6: {  	v4 =	vld [tilespmem:s22+$0x0];
	_ =	sdelay $0x2  }
0xe7: {  	v57 =	vor.u32 s28, v2;
	v5 =	vmov s28  }
0xe8: {  	v7 =	vand.u32 $0x6F, v57;
	v5 =	vshll.u32 v5, $0x3  }
0xe9: {  	v5 =	vand.u32 $0x1C00, v5;
	v56 =	vsub.s32 v4, v0;
	v4 =	vshll.u32 v4, $0x7  }
0xea: {  	v5 =	vor.u32 v5, v7;
	v58 =	vshll.u32 v56, $0xA;
	v4 =	vand.u32 $0x380, v4  }
0xeb: {  	vm14 =	vlt.u32 v56, $0x20;
	v59 =	vand.u32 $0xFFFFE000, v58;
	v4 =	vor.u32 v4, v5  }
0xec: {  	v4 =	vor.u32 v59, v4;
	_ =	sdelay $0x2  }
0xed: {  	s30 =	sadd.s32 $0x30, s19  }
0xee: {  	s31 =	sand.u32 $0x70, s30  }
0xef: {  	s20 =	sadd.s32 s31, s20;
	[tilespmem:v4+s3+$0x0] =	vst.idx.msk vm14, v3  }
0xf0: {  	v4 =	vld [tilespmem:s20+$0x0];
	_ =	sdelay $0x2  }
0xf1: {  	v61 =	vor.u32 s30, v2;
	v5 =	vmov s30  }
0xf2: {  	v7 =	vand.u32 $0x7F, v61;
	v5 =	vshll.u32 v5, $0x3  }
0xf3: {  	v5 =	vand.u32 $0x1C00, v5;
	v60 =	vsub.s32 v4, v0;
	v4 =	vshll.u32 v4, $0x7  }
0xf4: {  	v5 =	vor.u32 v5, v7;
	v62 =	vshll.u32 v60, $0xA;
	v4 =	vand.u32 $0x380, v4  }
0xf5: {  	vm15 =	vlt.u32 v60, $0x20;
	v63 =	vand.u32 $0xFFFFE000, v62;
	v4 =	vor.u32 v4, v5  }
0xf6: {  	p2 =	sne.s32 s19, $0x3C0;
	v4 =	vor.u32 v63, v4  }
.Ltmp6:
0xf7: {  	_ = 	snop;
	(pc) =	sbr.rel @p2 .LBB2_20-.Ltmp6, $2  }
0xf8: {  	_ =	sdelay $0x2  }
0xf9: {  	s19 =	sadd.s32 $0x40, s19;
	[tilespmem:v4+s3+$0x0] =	vst.idx.msk vm15, v3  }
.Ltmp7:
0xfa: {  	(pc) =	sbr.rel @p1 .LBB2_24-.Ltmp7, $3  }
0xfb: {  	_ =	sdelay $0x1  }
0xfc: {  	s18 =	sadd.s32 s17, s5  }
0xfd: {  	[hbm4b:s18+s3] =	stream.linear.scatter [tilespmem:s3], [sflag:$0x2], $0x2000, $0x38;
	[tilespmem:$0x14000] =	vst v63  }
0xfe: {  	_ =	swait.ge [sflag:s12], $0x2000  }
0xff: {  	[sflag:s12] =	ssyncset.done $0x0  }
0x100: {  	s18 =	sadd.s32 $0xFC00, s17;
	s19 =	simm.s32 $0x0;
	[sflag:s12] =	ssyncadd.s32 $0xFFFFE000  }
.LBB2_23:
0x101: {  	s20 =	sand.u32 $0x380, s19  }
0x102: {  	s21 =	sand.u32 $0x40, s19;
	s20 =	sadd.s32 s20, s18  }
0x103: {  	s21 =	sadd.s32 s21, s20  }
0x104: {  	v4 =	vld [tilespmem:s21+$0x0];
	_ =	sdelay $0x2  }
0x105: {  	v5 =	vmov s19  }
0x106: {  	v6 =	vor.u32 s19, v2;
	v5 =	vshll.u32 v5, $0x3  }
0x107: {  	v6 =	vand.u32 $0x4F, v6;
	v5 =	vand.u32 $0x1C00, v5;
	v7 =	vshll.u32 v4, $0xA  }
0x108: {  	v5 =	vor.u32 v5, v6;
	v4 =	vshll.u32 v4, $0x7;
	v7 =	vand.u32 $0x6000, v7  }
0x109: {  	v4 =	vand.u32 $0x380, v4;
	v5 =	vor.u32 v7, v5  }
0x10a: {  	v4 =	vor.u32 v4, v5;
	_ =	sdelay $0x2  }
0x10b: {  	s26 =	sadd.s32 $0x10, s19  }
0x10c: {  	s22 =	sand.u32 $0x50, s26  }
0x10d: {  	s22 =	sadd.s32 s22, s20;
	[tilespmem:v4+s10+$0x0] =	vst.idx.msk $0xffff, v1  }
0x10e: {  	v4 =	vld [tilespmem:s22+$0x0];
	_ =	sdelay $0x2  }
0x10f: {  	v5 =	vmov s26  }
0x110: {  	v58 =	vor.u32 s26, v2;
	v5 =	vshll.u32 v5, $0x3  }
0x111: {  	v6 =	vand.u32 $0x5F, v58;
	v5 =	vand.u32 $0x1C00, v5;
	v59 =	vshll.u32 v4, $0xA  }
0x112: {  	v5 =	vor.u32 v5, v6;
	v4 =	vshll.u32 v4, $0x7;
	v7 =	vand.u32 $0x6000, v59  }
0x113: {  	v4 =	vand.u32 $0x380, v4;
	v5 =	vor.u32 v7, v5  }
0x114: {  	v4 =	vor.u32 v4, v5;
	_ =	sdelay $0x2  }
0x115: {  	s28 =	sadd.s32 $0x20, s19  }
0x116: {  	s29 =	sand.u32 $0x60, s28  }
0x117: {  	s22 =	sadd.s32 s29, s20;
	[tilespmem:v4+s10+$0x0] =	vst.idx.msk $0xffff, v1  }
0x118: {  	v4 =	vld [tilespmem:s22+$0x0];
	_ =	sdelay $0x2  }
0x119: {  	v5 =	vmov s28  }
0x11a: {  	v60 =	vor.u32 s28, v2;
	v5 =	vshll.u32 v5, $0x3  }
0x11b: {  	v6 =	vand.u32 $0x6F, v60;
	v5 =	vand.u32 $0x1C00, v5;
	v61 =	vshll.u32 v4, $0xA  }
0x11c: {  	v5 =	vor.u32 v5, v6;
	v4 =	vshll.u32 v4, $0x7;
	v7 =	vand.u32 $0x6000, v61  }
0x11d: {  	v4 =	vand.u32 $0x380, v4;
	v5 =	vor.u32 v7, v5  }
0x11e: {  	v4 =	vor.u32 v4, v5;
	_ =	sdelay $0x2  }
0x11f: {  	s30 =	sadd.s32 $0x30, s19  }
0x120: {  	s31 =	sand.u32 $0x70, s30  }
0x121: {  	s20 =	sadd.s32 s31, s20;
	[tilespmem:v4+s10+$0x0] =	vst.idx.msk $0xffff, v1  }
0x122: {  	v4 =	vld [tilespmem:s20+$0x0];
	_ =	sdelay $0x2  }
0x123: {  	v5 =	vmov s30  }
0x124: {  	v62 =	vor.u32 s30, v2;
	v5 =	vshll.u32 v5, $0x3  }
0x125: {  	v6 =	vand.u32 $0x7F, v62;
	v5 =	vand.u32 $0x1C00, v5;
	v63 =	vshll.u32 v4, $0xA  }
0x126: {  	v5 =	vor.u32 v5, v6;
	v4 =	vshll.u32 v4, $0x7;
	v7 =	vand.u32 $0x6000, v63  }
0x127: {  	v4 =	vand.u32 $0x380, v4;
	v5 =	vor.u32 v7, v5  }
0x128: {  	p1 =	sne.s32 s19, $0x3C0;
	v4 =	vor.u32 v4, v5  }
.Ltmp8:
0x129: {  	_ = 	snop;
	(pc) =	sbr.rel @p1 .LBB2_23-.Ltmp8, $2  }
0x12a: {  	_ =	sdelay $0x2  }
0x12b: {  	s19 =	sadd.s32 $0x40, s19;
	[tilespmem:v4+s10+$0x0] =	vst.idx.msk $0xffff, v1  }
.LBB2_24:
0x12c: {  	s18 =	sadd.s32 $0x10400, s17;
	s19 =	simm.s32 $0x0  }
.LBB2_25:
0x12d: {  	s20 =	sand.u32 $0x380, s19  }
0x12e: {  	s21 =	sand.u32 $0x40, s19;
	s20 =	sadd.s32 s20, s18  }
0x12f: {  	s21 =	sadd.s32 s21, s20  }
0x130: {  	v4 =	vld [tilespmem:s21+$0x0];
	_ =	sdelay $0x2  }
0x131: {  	v5 =	vmov s19;
	v7 =	vor.u32 s19, v2  }
0x132: {  	v5 =	vshll.u32 v5, $0x3;
	v7 =	vand.u32 $0x4F, v7  }
0x133: {  	v5 =	vand.u32 $0x1C00, v5;
	v6 =	vsub.s32 v4, v0;
	v4 =	vshll.u32 v4, $0x7  }
0x134: {  	v5 =	vor.u32 v5, v7;
	v50 =	vshll.u32 v6, $0xA;
	v4 =	vand.u32 $0x380, v4  }
0x135: {  	vm0 =	vlt.u32 v6, $0x20;
	v51 =	vand.u32 $0xFFFFE000, v50;
	v4 =	vor.u32 v4, v5  }
0x136: {  	v4 =	vor.u32 v51, v4;
	_ =	sdelay $0x2  }
0x137: {  	s26 =	sadd.s32 $0x10, s19  }
0x138: {  	s22 =	sand.u32 $0x50, s26  }
0x139: {  	s22 =	sadd.s32 s22, s20;
	[tilespmem:v4+s10+$0x0] =	vst.idx.msk vm0, v3  }
0x13a: {  	v4 =	vld [tilespmem:s22+$0x0];
	_ =	sdelay $0x2  }
0x13b: {  	v53 =	vor.u32 s26, v2;
	v5 =	vmov s26  }
0x13c: {  	v7 =	vand.u32 $0x5F, v53;
	v5 =	vshll.u32 v5, $0x3  }
0x13d: {  	v5 =	vand.u32 $0x1C00, v5;
	v52 =	vsub.s32 v4, v0;
	v4 =	vshll.u32 v4, $0x7  }
0x13e: {  	v5 =	vor.u32 v5, v7;
	v54 =	vshll.u32 v52, $0xA;
	v4 =	vand.u32 $0x380, v4  }
0x13f: {  	vm13 =	vlt.u32 v52, $0x20;
	v55 =	vand.u32 $0xFFFFE000, v54;
	v4 =	vor.u32 v4, v5  }
0x140: {  	v4 =	vor.u32 v55, v4;
	_ =	sdelay $0x2  }
0x141: {  	s28 =	sadd.s32 $0x20, s19  }
0x142: {  	s29 =	sand.u32 $0x60, s28  }
0x143: {  	s22 =	sadd.s32 s29, s20;
	[tilespmem:v4+s10+$0x0] =	vst.idx.msk vm13, v3  }
0x144: {  	v4 =	vld [tilespmem:s22+$0x0];
	_ =	sdelay $0x2  }
0x145: {  	v57 =	vor.u32 s28, v2;
	v5 =	vmov s28  }
0x146: {  	v7 =	vand.u32 $0x6F, v57;
	v5 =	vshll.u32 v5, $0x3  }
0x147: {  	v5 =	vand.u32 $0x1C00, v5;
	v56 =	vsub.s32 v4, v0;
	v4 =	vshll.u32 v4, $0x7  }
0x148: {  	v5 =	vor.u32 v5, v7;
	v58 =	vshll.u32 v56, $0xA;
	v4 =	vand.u32 $0x380, v4  }
0x149: {  	vm14 =	vlt.u32 v56, $0x20;
	v59 =	vand.u32 $0xFFFFE000, v58;
	v4 =	vor.u32 v4, v5  }
0x14a: {  	v4 =	vor.u32 v59, v4;
	_ =	sdelay $0x2  }
0x14b: {  	s30 =	sadd.s32 $0x30, s19  }
0x14c: {  	s31 =	sand.u32 $0x70, s30  }
0x14d: {  	s20 =	sadd.s32 s31, s20;
	[tilespmem:v4+s10+$0x0] =	vst.idx.msk vm14, v3  }
0x14e: {  	v4 =	vld [tilespmem:s20+$0x0];
	_ =	sdelay $0x2  }
0x14f: {  	v61 =	vor.u32 s30, v2;
	v5 =	vmov s30  }
0x150: {  	v7 =	vand.u32 $0x7F, v61;
	v5 =	vshll.u32 v5, $0x3  }
0x151: {  	v5 =	vand.u32 $0x1C00, v5;
	v60 =	vsub.s32 v4, v0;
	v4 =	vshll.u32 v4, $0x7  }
0x152: {  	v5 =	vor.u32 v5, v7;
	v62 =	vshll.u32 v60, $0xA;
	v4 =	vand.u32 $0x380, v4  }
0x153: {  	vm15 =	vlt.u32 v60, $0x20;
	v63 =	vand.u32 $0xFFFFE000, v62;
	v4 =	vor.u32 v4, v5  }
0x154: {  	p1 =	sne.s32 s19, $0x3C0;
	v4 =	vor.u32 v63, v4  }
.Ltmp9:
0x155: {  	_ = 	snop;
	(pc) =	sbr.rel @p1 .LBB2_25-.Ltmp9, $2  }
0x156: {  	_ =	sdelay $0x2  }
0x157: {  	s19 =	sadd.s32 $0x40, s19;
	[tilespmem:v4+s10+$0x0] =	vst.idx.msk vm15, v3  }
0x158: {  	s16 =	sadd.s32 $0x1, s16  }
0x159: {  	p1 =	sne.s32 s16, $0x8  }
.Ltmp10:
0x15a: {  	_ = 	snop;
	(pc) =	sbr.rel @p1 .LBB2_16-.Ltmp10, $3  }
0x15b: {  	_ =	sdelay $0x1  }
0x15c: {  	s17 =	sadd.s32 s17, s6  }
0x15d: {  	[hbm4b:s17+s3] =	stream.linear.scatter [tilespmem:s10], [sflag:$0x3], $0x2000, $0x38;
	[tilespmem:$0x14000] =	vst v63  }
0x15e: {  	_ =	swait.ge [sflag:s11], $0x2000  }
.Ltmp11:
0x15f: {  	[sflag:s11] =	ssyncset.done $0x0;
	(pc) =	sbr.rel .LBB2_28-.Ltmp11, $4  }
0x160: {  	[sflag:s11] =	ssyncadd.s32 $0xFFFFE000  }
0x161: {  	_ =	swait.ge [sflag:s12], $0x2000  }
0x162: {  	[sflag:s12] =	ssyncset.done $0x0  }
0x163: {  	[sflag:s12] =	ssyncadd.s32 $0xFFFFE000  }
.LBB2_4:
0x164: {  	p1 =	seq.s32 s16, $0x0  }
.Ltmp12:
0x165: {  	_ = 	snop;
	(pc) =	sbr.rel @p1 .LBB2_7-.Ltmp12, $2  }
0x166: {  	_ =	sdelay $0x2  }
0x167: {  	s17 =	sshll.u32 s16, $0xB  }
0x168: {  	_ =	swait.ge [sflag:s11], $0x8000  }
0x169: {  	[sflag:s11] =	ssyncset.done $0x0  }
0x16a: {  	s18 =	sadd.s32 $0xF800, s17;
	s19 =	simm.s32 $0x0;
	[sflag:s11] =	ssyncadd.s32 $0xFFFF8000  }
.LBB2_6:
0x16b: {  	s20 =	sand.u32 $0x380, s19  }
0x16c: {  	s21 =	sand.u32 $0x40, s19;
	s20 =	sadd.s32 s20, s18  }
0x16d: {  	s21 =	sadd.s32 s21, s20  }
0x16e: {  	v4 =	vld [tilespmem:s21+$0x0];
	_ =	sdelay $0x2  }
0x16f: {  	v5 =	vmov s19  }
0x170: {  	v6 =	vor.u32 s19, v2;
	v5 =	vshll.u32 v5, $0x3  }
0x171: {  	v6 =	vand.u32 $0x4F, v6;
	v5 =	vand.u32 $0x1C00, v5;
	v7 =	vshll.u32 v4, $0xA  }
0x172: {  	v5 =	vor.u32 v5, v6;
	v4 =	vshll.u32 v4, $0x7;
	v7 =	vand.u32 $0x6000, v7  }
0x173: {  	v4 =	vand.u32 $0x380, v4;
	v5 =	vor.u32 v7, v5  }
0x174: {  	v4 =	vor.u32 v4, v5;
	_ =	sdelay $0x2  }
0x175: {  	s26 =	sadd.s32 $0x10, s19  }
0x176: {  	s22 =	sand.u32 $0x50, s26  }
0x177: {  	s22 =	sadd.s32 s22, s20;
	[tilespmem:v4+s3+$0x0] =	vst.idx.msk $0xffff, v1  }
0x178: {  	v4 =	vld [tilespmem:s22+$0x0];
	_ =	sdelay $0x2  }
0x179: {  	v5 =	vmov s26  }
0x17a: {  	v58 =	vor.u32 s26, v2;
	v5 =	vshll.u32 v5, $0x3  }
0x17b: {  	v6 =	vand.u32 $0x5F, v58;
	v5 =	vand.u32 $0x1C00, v5;
	v59 =	vshll.u32 v4, $0xA  }
0x17c: {  	v5 =	vor.u32 v5, v6;
	v4 =	vshll.u32 v4, $0x7;
	v7 =	vand.u32 $0x6000, v59  }
0x17d: {  	v4 =	vand.u32 $0x380, v4;
	v5 =	vor.u32 v7, v5  }
0x17e: {  	v4 =	vor.u32 v4, v5;
	_ =	sdelay $0x2  }
0x17f: {  	s28 =	sadd.s32 $0x20, s19  }
0x180: {  	s29 =	sand.u32 $0x60, s28  }
0x181: {  	s22 =	sadd.s32 s29, s20;
	[tilespmem:v4+s3+$0x0] =	vst.idx.msk $0xffff, v1  }
0x182: {  	v4 =	vld [tilespmem:s22+$0x0];
	_ =	sdelay $0x2  }
0x183: {  	v5 =	vmov s28  }
0x184: {  	v60 =	vor.u32 s28, v2;
	v5 =	vshll.u32 v5, $0x3  }
0x185: {  	v6 =	vand.u32 $0x6F, v60;
	v5 =	vand.u32 $0x1C00, v5;
	v61 =	vshll.u32 v4, $0xA  }
0x186: {  	v5 =	vor.u32 v5, v6;
	v4 =	vshll.u32 v4, $0x7;
	v7 =	vand.u32 $0x6000, v61  }
0x187: {  	v4 =	vand.u32 $0x380, v4;
	v5 =	vor.u32 v7, v5  }
0x188: {  	v4 =	vor.u32 v4, v5;
	_ =	sdelay $0x2  }
0x189: {  	s30 =	sadd.s32 $0x30, s19  }
0x18a: {  	s31 =	sand.u32 $0x70, s30  }
0x18b: {  	s20 =	sadd.s32 s31, s20;
	[tilespmem:v4+s3+$0x0] =	vst.idx.msk $0xffff, v1  }
0x18c: {  	v4 =	vld [tilespmem:s20+$0x0];
	_ =	sdelay $0x2  }
0x18d: {  	v5 =	vmov s30  }
0x18e: {  	v62 =	vor.u32 s30, v2;
	v5 =	vshll.u32 v5, $0x3  }
0x18f: {  	v6 =	vand.u32 $0x7F, v62;
	v5 =	vand.u32 $0x1C00, v5;
	v63 =	vshll.u32 v4, $0xA  }
0x190: {  	v5 =	vor.u32 v5, v6;
	v4 =	vshll.u32 v4, $0x7;
	v7 =	vand.u32 $0x6000, v63  }
0x191: {  	v4 =	vand.u32 $0x380, v4;
	v5 =	vor.u32 v7, v5  }
0x192: {  	p2 =	sne.s32 s19, $0x3C0;
	v4 =	vor.u32 v4, v5  }
.Ltmp13:
0x193: {  	_ = 	snop;
	(pc) =	sbr.rel @p2 .LBB2_6-.Ltmp13, $2  }
0x194: {  	_ =	sdelay $0x2  }
0x195: {  	s19 =	sadd.s32 $0x40, s19;
	[tilespmem:v4+s3+$0x0] =	vst.idx.msk $0xffff, v1  }
.LBB2_7:
0x196: {  	s18 =	sadd.s32 $0x10000, s17;
	s19 =	simm.s32 $0x0  }
.LBB2_8:
0x197: {  	s20 =	sand.u32 $0x380, s19  }
0x198: {  	s21 =	sand.u32 $0x40, s19;
	s20 =	sadd.s32 s20, s18  }
0x199: {  	s21 =	sadd.s32 s21, s20  }
0x19a: {  	v4 =	vld [tilespmem:s21+$0x0];
	_ =	sdelay $0x2  }
0x19b: {  	v5 =	vmov s19;
	v7 =	vor.u32 s19, v2  }
0x19c: {  	v5 =	vshll.u32 v5, $0x3;
	v7 =	vand.u32 $0x4F, v7  }
0x19d: {  	v5 =	vand.u32 $0x1C00, v5;
	v6 =	vsub.s32 v4, v0;
	v4 =	vshll.u32 v4, $0x7  }
0x19e: {  	v5 =	vor.u32 v5, v7;
	v50 =	vshll.u32 v6, $0xA;
	v4 =	vand.u32 $0x380, v4  }
0x19f: {  	vm0 =	vlt.u32 v6, $0x20;
	v51 =	vand.u32 $0xFFFFE000, v50;
	v4 =	vor.u32 v4, v5  }
0x1a0: {  	v4 =	vor.u32 v51, v4;
	_ =	sdelay $0x2  }
0x1a1: {  	s26 =	sadd.s32 $0x10, s19  }
0x1a2: {  	s22 =	sand.u32 $0x50, s26  }
0x1a3: {  	s22 =	sadd.s32 s22, s20;
	[tilespmem:v4+s3+$0x0] =	vst.idx.msk vm0, v3  }
0x1a4: {  	v4 =	vld [tilespmem:s22+$0x0];
	_ =	sdelay $0x2  }
0x1a5: {  	v53 =	vor.u32 s26, v2;
	v5 =	vmov s26  }
0x1a6: {  	v7 =	vand.u32 $0x5F, v53;
	v5 =	vshll.u32 v5, $0x3  }
0x1a7: {  	v5 =	vand.u32 $0x1C00, v5;
	v52 =	vsub.s32 v4, v0;
	v4 =	vshll.u32 v4, $0x7  }
0x1a8: {  	v5 =	vor.u32 v5, v7;
	v54 =	vshll.u32 v52, $0xA;
	v4 =	vand.u32 $0x380, v4  }
0x1a9: {  	vm13 =	vlt.u32 v52, $0x20;
	v55 =	vand.u32 $0xFFFFE000, v54;
	v4 =	vor.u32 v4, v5  }
0x1aa: {  	v4 =	vor.u32 v55, v4;
	_ =	sdelay $0x2  }
0x1ab: {  	s28 =	sadd.s32 $0x20, s19  }
0x1ac: {  	s29 =	sand.u32 $0x60, s28  }
0x1ad: {  	s22 =	sadd.s32 s29, s20;
	[tilespmem:v4+s3+$0x0] =	vst.idx.msk vm13, v3  }
0x1ae: {  	v4 =	vld [tilespmem:s22+$0x0];
	_ =	sdelay $0x2  }
0x1af: {  	v57 =	vor.u32 s28, v2;
	v5 =	vmov s28  }
0x1b0: {  	v7 =	vand.u32 $0x6F, v57;
	v5 =	vshll.u32 v5, $0x3  }
0x1b1: {  	v5 =	vand.u32 $0x1C00, v5;
	v56 =	vsub.s32 v4, v0;
	v4 =	vshll.u32 v4, $0x7  }
0x1b2: {  	v5 =	vor.u32 v5, v7;
	v58 =	vshll.u32 v56, $0xA;
	v4 =	vand.u32 $0x380, v4  }
0x1b3: {  	vm14 =	vlt.u32 v56, $0x20;
	v59 =	vand.u32 $0xFFFFE000, v58;
	v4 =	vor.u32 v4, v5  }
0x1b4: {  	v4 =	vor.u32 v59, v4;
	_ =	sdelay $0x2  }
0x1b5: {  	s30 =	sadd.s32 $0x30, s19  }
0x1b6: {  	s31 =	sand.u32 $0x70, s30  }
0x1b7: {  	s20 =	sadd.s32 s31, s20;
	[tilespmem:v4+s3+$0x0] =	vst.idx.msk vm14, v3  }
0x1b8: {  	v4 =	vld [tilespmem:s20+$0x0];
	_ =	sdelay $0x2  }
0x1b9: {  	v61 =	vor.u32 s30, v2;
	v5 =	vmov s30  }
0x1ba: {  	v7 =	vand.u32 $0x7F, v61;
	v5 =	vshll.u32 v5, $0x3  }
0x1bb: {  	v5 =	vand.u32 $0x1C00, v5;
	v60 =	vsub.s32 v4, v0;
	v4 =	vshll.u32 v4, $0x7  }
0x1bc: {  	v5 =	vor.u32 v5, v7;
	v62 =	vshll.u32 v60, $0xA;
	v4 =	vand.u32 $0x380, v4  }
0x1bd: {  	vm15 =	vlt.u32 v60, $0x20;
	v63 =	vand.u32 $0xFFFFE000, v62;
	v4 =	vor.u32 v4, v5  }
0x1be: {  	p2 =	sne.s32 s19, $0x3C0;
	v4 =	vor.u32 v63, v4  }
.Ltmp14:
0x1bf: {  	_ = 	snop;
	(pc) =	sbr.rel @p2 .LBB2_8-.Ltmp14, $2  }
0x1c0: {  	_ =	sdelay $0x2  }
0x1c1: {  	s19 =	sadd.s32 $0x40, s19;
	[tilespmem:v4+s3+$0x0] =	vst.idx.msk vm15, v3  }
.Ltmp15:
0x1c2: {  	(pc) =	sbr.rel @p1 .LBB2_12-.Ltmp15, $3  }
0x1c3: {  	_ =	sdelay $0x1  }
0x1c4: {  	s18 =	sadd.s32 s17, s4  }
0x1c5: {  	[hbm4b:s18+s13] =	stream.strided.scatter [tilespmem:s3], [sflag:$0x2], $0x8000, s14, s13, $0x38;
	[tilespmem:$0x14000] =	vst v63  }
0x1c6: {  	_ =	swait.ge [sflag:s12], $0x8000  }
0x1c7: {  	[sflag:s12] =	ssyncset.done $0x0  }
0x1c8: {  	s18 =	sadd.s32 $0xFC00, s17;
	s19 =	simm.s32 $0x0;
	[sflag:s12] =	ssyncadd.s32 $0xFFFF8000  }
.LBB2_11:
0x1c9: {  	s20 =	sand.u32 $0x380, s19  }
0x1ca: {  	s21 =	sand.u32 $0x40, s19;
	s20 =	sadd.s32 s20, s18  }
0x1cb: {  	s21 =	sadd.s32 s21, s20  }
0x1cc: {  	v4 =	vld [tilespmem:s21+$0x0];
	_ =	sdelay $0x2  }
0x1cd: {  	v5 =	vmov s19  }
0x1ce: {  	v6 =	vor.u32 s19, v2;
	v5 =	vshll.u32 v5, $0x3  }
0x1cf: {  	v6 =	vand.u32 $0x4F, v6;
	v5 =	vand.u32 $0x1C00, v5;
	v7 =	vshll.u32 v4, $0xA  }
0x1d0: {  	v5 =	vor.u32 v5, v6;
	v4 =	vshll.u32 v4, $0x7;
	v7 =	vand.u32 $0x6000, v7  }
0x1d1: {  	v4 =	vand.u32 $0x380, v4;
	v5 =	vor.u32 v7, v5  }
0x1d2: {  	v4 =	vor.u32 v4, v5;
	_ =	sdelay $0x2  }
0x1d3: {  	s26 =	sadd.s32 $0x10, s19  }
0x1d4: {  	s22 =	sand.u32 $0x50, s26  }
0x1d5: {  	s22 =	sadd.s32 s22, s20;
	[tilespmem:v4+s10+$0x0] =	vst.idx.msk $0xffff, v1  }
0x1d6: {  	v4 =	vld [tilespmem:s22+$0x0];
	_ =	sdelay $0x2  }
0x1d7: {  	v5 =	vmov s26  }
0x1d8: {  	v58 =	vor.u32 s26, v2;
	v5 =	vshll.u32 v5, $0x3  }
0x1d9: {  	v6 =	vand.u32 $0x5F, v58;
	v5 =	vand.u32 $0x1C00, v5;
	v59 =	vshll.u32 v4, $0xA  }
0x1da: {  	v5 =	vor.u32 v5, v6;
	v4 =	vshll.u32 v4, $0x7;
	v7 =	vand.u32 $0x6000, v59  }
0x1db: {  	v4 =	vand.u32 $0x380, v4;
	v5 =	vor.u32 v7, v5  }
0x1dc: {  	v4 =	vor.u32 v4, v5;
	_ =	sdelay $0x2  }
0x1dd: {  	s28 =	sadd.s32 $0x20, s19  }
0x1de: {  	s29 =	sand.u32 $0x60, s28  }
0x1df: {  	s22 =	sadd.s32 s29, s20;
	[tilespmem:v4+s10+$0x0] =	vst.idx.msk $0xffff, v1  }
0x1e0: {  	v4 =	vld [tilespmem:s22+$0x0];
	_ =	sdelay $0x2  }
0x1e1: {  	v5 =	vmov s28  }
0x1e2: {  	v60 =	vor.u32 s28, v2;
	v5 =	vshll.u32 v5, $0x3  }
0x1e3: {  	v6 =	vand.u32 $0x6F, v60;
	v5 =	vand.u32 $0x1C00, v5;
	v61 =	vshll.u32 v4, $0xA  }
0x1e4: {  	v5 =	vor.u32 v5, v6;
	v4 =	vshll.u32 v4, $0x7;
	v7 =	vand.u32 $0x6000, v61  }
0x1e5: {  	v4 =	vand.u32 $0x380, v4;
	v5 =	vor.u32 v7, v5  }
0x1e6: {  	v4 =	vor.u32 v4, v5;
	_ =	sdelay $0x2  }
0x1e7: {  	s30 =	sadd.s32 $0x30, s19  }
0x1e8: {  	s31 =	sand.u32 $0x70, s30  }
0x1e9: {  	s20 =	sadd.s32 s31, s20;
	[tilespmem:v4+s10+$0x0] =	vst.idx.msk $0xffff, v1  }
0x1ea: {  	v4 =	vld [tilespmem:s20+$0x0];
	_ =	sdelay $0x2  }
0x1eb: {  	v5 =	vmov s30  }
0x1ec: {  	v62 =	vor.u32 s30, v2;
	v5 =	vshll.u32 v5, $0x3  }
0x1ed: {  	v6 =	vand.u32 $0x7F, v62;
	v5 =	vand.u32 $0x1C00, v5;
	v63 =	vshll.u32 v4, $0xA  }
0x1ee: {  	v5 =	vor.u32 v5, v6;
	v4 =	vshll.u32 v4, $0x7;
	v7 =	vand.u32 $0x6000, v63  }
0x1ef: {  	v4 =	vand.u32 $0x380, v4;
	v5 =	vor.u32 v7, v5  }
0x1f0: {  	p1 =	sne.s32 s19, $0x3C0;
	v4 =	vor.u32 v4, v5  }
.Ltmp16:
0x1f1: {  	_ = 	snop;
	(pc) =	sbr.rel @p1 .LBB2_11-.Ltmp16, $2  }
0x1f2: {  	_ =	sdelay $0x2  }
0x1f3: {  	s19 =	sadd.s32 $0x40, s19;
	[tilespmem:v4+s10+$0x0] =	vst.idx.msk $0xffff, v1  }
.LBB2_12:
0x1f4: {  	s17 =	sor.u32 $0x400, s17  }
0x1f5: {  	s19 =	simm.s32 $0x0;
	s18 =	sadd.s32 $0x10000, s17  }
.LBB2_13:
0x1f6: {  	s20 =	sand.u32 $0x380, s19  }
0x1f7: {  	s21 =	sand.u32 $0x40, s19;
	s20 =	sadd.s32 s20, s18  }
0x1f8: {  	s21 =	sadd.s32 s21, s20  }
0x1f9: {  	v4 =	vld [tilespmem:s21+$0x0];
	_ =	sdelay $0x2  }
0x1fa: {  	v5 =	vmov s19;
	v7 =	vor.u32 s19, v2  }
0x1fb: {  	v5 =	vshll.u32 v5, $0x3;
	v7 =	vand.u32 $0x4F, v7  }
0x1fc: {  	v5 =	vand.u32 $0x1C00, v5;
	v6 =	vsub.s32 v4, v0;
	v4 =	vshll.u32 v4, $0x7  }
0x1fd: {  	v5 =	vor.u32 v5, v7;
	v50 =	vshll.u32 v6, $0xA;
	v4 =	vand.u32 $0x380, v4  }
0x1fe: {  	vm0 =	vlt.u32 v6, $0x20;
	v51 =	vand.u32 $0xFFFFE000, v50;
	v4 =	vor.u32 v4, v5  }
0x1ff: {  	v4 =	vor.u32 v51, v4;
	_ =	sdelay $0x2  }
0x200: {  	s26 =	sadd.s32 $0x10, s19  }
0x201: {  	s22 =	sand.u32 $0x50, s26  }
0x202: {  	s22 =	sadd.s32 s22, s20;
	[tilespmem:v4+s10+$0x0] =	vst.idx.msk vm0, v3  }
0x203: {  	v4 =	vld [tilespmem:s22+$0x0];
	_ =	sdelay $0x2  }
0x204: {  	v53 =	vor.u32 s26, v2;
	v5 =	vmov s26  }
0x205: {  	v7 =	vand.u32 $0x5F, v53;
	v5 =	vshll.u32 v5, $0x3  }
0x206: {  	v5 =	vand.u32 $0x1C00, v5;
	v52 =	vsub.s32 v4, v0;
	v4 =	vshll.u32 v4, $0x7  }
0x207: {  	v5 =	vor.u32 v5, v7;
	v54 =	vshll.u32 v52, $0xA;
	v4 =	vand.u32 $0x380, v4  }
0x208: {  	vm13 =	vlt.u32 v52, $0x20;
	v55 =	vand.u32 $0xFFFFE000, v54;
	v4 =	vor.u32 v4, v5  }
0x209: {  	v4 =	vor.u32 v55, v4;
	_ =	sdelay $0x2  }
0x20a: {  	s28 =	sadd.s32 $0x20, s19  }
0x20b: {  	s29 =	sand.u32 $0x60, s28  }
0x20c: {  	s22 =	sadd.s32 s29, s20;
	[tilespmem:v4+s10+$0x0] =	vst.idx.msk vm13, v3  }
0x20d: {  	v4 =	vld [tilespmem:s22+$0x0];
	_ =	sdelay $0x2  }
0x20e: {  	v57 =	vor.u32 s28, v2;
	v5 =	vmov s28  }
0x20f: {  	v7 =	vand.u32 $0x6F, v57;
	v5 =	vshll.u32 v5, $0x3  }
0x210: {  	v5 =	vand.u32 $0x1C00, v5;
	v56 =	vsub.s32 v4, v0;
	v4 =	vshll.u32 v4, $0x7  }
0x211: {  	v5 =	vor.u32 v5, v7;
	v58 =	vshll.u32 v56, $0xA;
	v4 =	vand.u32 $0x380, v4  }
0x212: {  	vm14 =	vlt.u32 v56, $0x20;
	v59 =	vand.u32 $0xFFFFE000, v58;
	v4 =	vor.u32 v4, v5  }
0x213: {  	v4 =	vor.u32 v59, v4;
	_ =	sdelay $0x2  }
0x214: {  	s30 =	sadd.s32 $0x30, s19  }
0x215: {  	s31 =	sand.u32 $0x70, s30  }
0x216: {  	s20 =	sadd.s32 s31, s20;
	[tilespmem:v4+s10+$0x0] =	vst.idx.msk vm14, v3  }
0x217: {  	v4 =	vld [tilespmem:s20+$0x0];
	_ =	sdelay $0x2  }
0x218: {  	v61 =	vor.u32 s30, v2;
	v5 =	vmov s30  }
0x219: {  	v7 =	vand.u32 $0x7F, v61;
	v5 =	vshll.u32 v5, $0x3  }
0x21a: {  	v5 =	vand.u32 $0x1C00, v5;
	v60 =	vsub.s32 v4, v0;
	v4 =	vshll.u32 v4, $0x7  }
0x21b: {  	v5 =	vor.u32 v5, v7;
	v62 =	vshll.u32 v60, $0xA;
	v4 =	vand.u32 $0x380, v4  }
0x21c: {  	vm15 =	vlt.u32 v60, $0x20;
	v63 =	vand.u32 $0xFFFFE000, v62;
	v4 =	vor.u32 v4, v5  }
0x21d: {  	p1 =	sne.s32 s19, $0x3C0;
	v4 =	vor.u32 v63, v4  }
.Ltmp17:
0x21e: {  	_ = 	snop;
	(pc) =	sbr.rel @p1 .LBB2_13-.Ltmp17, $2  }
0x21f: {  	_ =	sdelay $0x2  }
0x220: {  	s19 =	sadd.s32 $0x40, s19;
	[tilespmem:v4+s10+$0x0] =	vst.idx.msk vm15, v3  }
0x221: {  	s16 =	sadd.s32 $0x1, s16  }
0x222: {  	p1 =	sne.s32 s16, $0x8  }
.Ltmp18:
0x223: {  	_ = 	snop;
	(pc) =	sbr.rel @p1 .LBB2_4-.Ltmp18, $3  }
0x224: {  	_ =	sdelay $0x1  }
0x225: {  	s17 =	sadd.s32 s17, s4  }
0x226: {  	[hbm4b:s17+s13] =	stream.strided.scatter [tilespmem:s10], [sflag:$0x3], $0x8000, s14, s13, $0x38;
	[tilespmem:$0x14000] =	vst v63  }
0x227: {  	_ =	swait.ge [sflag:s11], $0x8000  }
.Ltmp19:
0x228: {  	[sflag:s11] =	ssyncset.done $0x0;
	(pc) =	sbr.rel .LBB2_28-.Ltmp19, $4  }
0x229: {  	[sflag:s11] =	ssyncadd.s32 $0xFFFF8000  }
0x22a: {  	_ =	swait.ge [sflag:s12], $0x8000  }
0x22b: {  	[sflag:s12] =	ssyncset.done $0x0  }
0x22c: {  	[sflag:s12] =	ssyncadd.s32 $0xFFFF8000  }
.LBB2_29:
0x22d: {  	_ =	sfence.sel $0x180000  }
0x22e: {  	[bflag:$0x0] =	sbarrier.arrive $0xFFFF  }
0x22f: {  	p0 =	sne.s32 s1, $0x0;
	_ =	strace $0x90000047  }
0x230: {  	s0 =	sadd.s32 @!p0 $0x100000, s0;
	[bflag:$0x2] =	sbarrier.arrive $0xFFFF  }
0x231: {  	[sflag:s0] =	ssyncadd.tile.s32 @!p0 $0x1;
	_ =	shalt  }
.Lfunc_end2:
_tile_overlayer_lowered:
.L_overlay_start_2:
0x232: {  	(tag) =	ssettag $0x2  }
0x233: {  	s0 =	rddreg [dreg:$0x0];
	s2 =	stileid.u32  }
0x234: {  	s1 =	rddreg [dreg:$0x1];
	p0 =	sne.s32 s2, $0x0  }
0x235: {  	s3 =	rddreg [dreg:$0x2];
	[bflag:$0x3] =	sbarrier.arrive $0xFFFF;
	s2 =	simm.s32 @!p0 $0x1C04  }
0x236: {  	[timem:s3], [sflag:s2] =	dma.local @!p0 [hbm:s0], s1  }
0x237: {  	s0 =	simm.s32 @!p0 $0x4  }
0x238: {  	_ =	swait.ge @!p0 [sflag:s0], s1  }
0x239: {  	s1 =	ssub.s32 @!p0 $0x0, s1;
	[sflag:s0] =	ssyncset.done @!p0 $0x0  }
0x23a: {  	[sflag:s0] =	ssyncadd.s32 @!p0 s1  }
0x23b: {  	[bflag:$0x3] =	sbarrier.arrive $0xFFFF  }
0x23c: {  	_ =	shalt  }

</sc_bundles>
